<compile_context>
chip_gen: v7x
topology: tpu7x:2x2x1
jax: 0.10.2.dev20260603
libtpu: 0.0.44.dev20260713+nightly
codegen_flags: <defaults>
</compile_context>

<pallas_src>
import dataclasses
import functools

import jax
import jax.numpy as jnp
import numpy as np
from jax.experimental import pallas as pl
from jax.experimental.pallas import tpu as pltpu
from jax.experimental.pallas import tpu_sc as plsc

N = 10000
E = 320000
D = 128
TAB_W = 144
NUM_WORKERS = 32
EDGES_PER_WORKER = E // NUM_WORKERS
BLK = 80
NUM_BLKS = EDGES_PER_WORKER // BLK
ROW_BLK = 1000

_PERM = np.empty((D,), dtype=np.int32)
for _k in range(D // 32):
    for _j in range(16):
        _PERM[32 * _k + 2 * _j] = 32 * _k + _j
        _PERM[32 * _k + 2 * _j + 1] = 32 * _k + 16 + _j


def _prep_body(ns_ref, w_ref, tabs_ref, tnd_ref):
    t = jnp.dot(ns_ref[...], w_ref[...], preferred_element_type=jnp.float32)
    sq = jnp.sum(t * t, axis=1, keepdims=True)
    m = jnp.maximum(sq, 1e-12)
    invrn = jax.lax.rsqrt(m)
    tnd_ref[...] = t * invrn
    r = t.shape[0]
    ones = jnp.ones((r, 1), jnp.float32)
    pad = jnp.zeros((r, TAB_W - D - 2), jnp.float32)
    tabs_ref[...] = jnp.concatenate([t, ones, invrn, pad], axis=1)


def _prep(node_states, w):
    return pl.pallas_call(
        _prep_body,
        grid=(N // ROW_BLK,),
        in_specs=[
            pl.BlockSpec((ROW_BLK, D), lambda i: (i, 0)),
            pl.BlockSpec((D, D), lambda i: (0, 0)),
        ],
        out_specs=[
            pl.BlockSpec((ROW_BLK, TAB_W), lambda i: (i, 0)),
            pl.BlockSpec((ROW_BLK, D), lambda i: (i, 0)),
        ],
        out_shape=[
            jax.ShapeDtypeStruct((N, TAB_W), jnp.float32),
            jax.ShapeDtypeStruct((N, D), jnp.float32),
        ],
    )(node_states, w)


_MESH = plsc.VectorSubcoreMesh(core_axis_name="c", subcore_axis_name="s")

_SC_PARAMS = pltpu.CompilerParams()
if "needs_layout_passes" in pltpu.CompilerParams.__dataclass_fields__:
    _SC_PARAMS = dataclasses.replace(_SC_PARAMS, needs_layout_passes=False)
if "use_tc_tiling_on_sc" in pltpu.CompilerParams.__dataclass_fields__:
    _SC_PARAMS = dataclasses.replace(_SC_PARAMS, use_tc_tiling_on_sc=False)


@functools.partial(
    pl.kernel,
    out_type=jax.ShapeDtypeStruct((2, N, TAB_W), jnp.float32),
    mesh=_MESH,
    compiler_params=_SC_PARAMS,
    scratch_types=[
        pltpu.VMEM((2, BLK), jnp.int32),
        pltpu.VMEM((2, BLK), jnp.int32),
        pltpu.VMEM((BLK,), jnp.int32),
        pltpu.VMEM((BLK,), jnp.int32),
        pltpu.VMEM((BLK, TAB_W), jnp.float32),
        pltpu.VMEM((BLK, TAB_W), jnp.float32),
        pltpu.VMEM((BLK, D), jnp.bfloat16),
        pltpu.VMEM((BLK, D), jnp.bfloat16),
        pltpu.VMEM_SHARED((N, TAB_W), jnp.float32),
        pltpu.SemaphoreType.DMA,
        pltpu.SemaphoreType.DMA,
        pltpu.SemaphoreType.DMA,
        pltpu.SemaphoreType.DMA,
        pltpu.SemaphoreType.DMA,
        pltpu.SemaphoreType.DMA,
    ],
)
def _edge(tabs_hbm, tnd_hbm, sd_hbm, upart_hbm,
          sdg_a, sdg_b, sdd_a, sdd_b, s_rows_a, s_rows_b, d_rows_a, d_rows_b,
          u_shared, sem_ga, sem_gb, sem_iga, sem_igb, sem_ida, sem_idb):
    core = jax.lax.axis_index("c")
    sid = jax.lax.axis_index("s")
    wid = sid * 2 + core
    rows_per_sub = N // 16

    @pl.loop(0, BLK)
    def _(e):
        z = jnp.zeros((16,), jnp.float32)
        for k in range(TAB_W // 16):
            s_rows_a[e, pl.ds(16 * k, 16)] = z

    base_row = sid * rows_per_sub
    for j in range(rows_per_sub // BLK):
        pltpu.sync_copy(s_rows_a, u_shared.at[pl.ds(base_row + j * BLK, BLK)])
    rem = rows_per_sub % BLK
    pltpu.sync_copy(
        s_rows_a.at[pl.ds(0, rem)],
        u_shared.at[pl.ds(base_row + (rows_per_sub // BLK) * BLK, rem)],
    )

    plsc.subcore_barrier()

    def issue_idxg(blk, sdg, sem):
        pltpu.async_copy(sd_hbm.at[wid, blk], sdg, sem)

    def wait_idxg(blk, sdg, sem):
        pltpu.make_async_copy(sd_hbm.at[wid, blk], sdg, sem).wait()

    def issue_idxd(blk, sdd, sem):
        pltpu.async_copy(sd_hbm.at[wid, blk, 1], sdd, sem)

    def wait_idxd(blk, sdd, sem):
        pltpu.make_async_copy(sd_hbm.at[wid, blk, 1], sdd, sem).wait()

    def issue_g(sdg, s_rows, d_rows, sem):
        pltpu.async_copy(tabs_hbm.at[sdg.at[0]], s_rows, sem)
        pltpu.async_copy(tnd_hbm.at[sdg.at[1]], d_rows, sem)

    def wait_g(sdg, s_rows, d_rows, sem):
        pltpu.make_async_copy(tabs_hbm.at[sdg.at[0]], s_rows, sem).wait()
        pltpu.make_async_copy(tnd_hbm.at[sdg.at[1]], d_rows, sem).wait()

    def compute(s_rows, d_rows):
        @plsc.parallel_loop(0, BLK, 1, unroll=2)
        def _(e):
            s_chunks = [s_rows[e, pl.ds(16 * k, 16)] for k in range(TAB_W // 16)]
            terms = []
            for k2 in range(D // 32):
                ab = d_rows[e, pl.ds(32 * k2, 32)]
                da, db = plsc.unpack(ab, format=plsc.PackFormat.INTERLEAVED)
                terms.append(s_chunks[2 * k2] * da)
                terms.append(s_chunks[2 * k2 + 1] * db)
            while len(terms) > 1:
                terms = [a + b for a, b in zip(terms[::2], terms[1::2])]
            invrn = s_chunks[D // 16][1]
            cos = jnp.sum(terms[0]) * invrn
            wv = jnp.exp(jnp.clip(jnp.full((16,), cos, jnp.float32), -2.0, 2.0))
            for k in range(TAB_W // 16):
                s_rows[e, pl.ds(16 * k, 16)] = s_chunks[k] * wv

    sets = (
        (sdg_a, sdd_a, s_rows_a, d_rows_a, sem_ga, sem_iga, sem_ida),
        (sdg_b, sdd_b, s_rows_b, d_rows_b, sem_gb, sem_igb, sem_idb),
    )

    def step(b, cur, nxt):
        sdg_c, sdd_c, s_c, d_c, sem_c, sem_igc, sem_idc = cur
        sdg_n, _, s_n, d_n, sem_n, sem_ign, _ = nxt

        @pl.when(b + 1 < NUM_BLKS)
        def _():
            wait_idxg(b + 1, sdg_n, sem_ign)
            issue_g(sdg_n, s_n, d_n, sem_n)

        wait_g(sdg_c, s_c, d_c, sem_c)

        @pl.when(b + 2 < NUM_BLKS)
        def _():
            issue_idxg(b + 2, sdg_c, sem_igc)

        compute(s_c, d_c)
        wait_idxd(b, sdd_c, sem_idc)
        pltpu.sync_copy(s_c, u_shared.at[sdd_c], add=True)

        @pl.when(b + 2 < NUM_BLKS)
        def _():
            issue_idxd(b + 2, sdd_c, sem_idc)

    pltpu.sync_copy(sd_hbm.at[wid, 0], sdg_a)
    issue_g(sdg_a, s_rows_a, d_rows_a, sem_ga)
    issue_idxg(1, sdg_b, sem_igb)
    issue_idxd(0, sdd_a, sem_ida)
    issue_idxd(1, sdd_b, sem_idb)

    @pl.loop(0, NUM_BLKS)
    def _(b):
        @pl.when(b % 2 == 0)
        def _():
            step(b, sets[0], sets[1])

        @pl.when(b % 2 == 1)
        def _():
            step(b, sets[1], sets[0])

    plsc.subcore_barrier()

    pltpu.sync_copy(
        u_shared.at[pl.ds(base_row, rows_per_sub)],
        upart_hbm.at[core, pl.ds(base_row, rows_per_sub)],
    )


def _final_body(u_ref, o_ref):
    u = u_ref[0] + u_ref[1]
    s = u[:, D:D + 1]
    o_ref[...] = jnp.where(s > 0.0, u[:, :D] / s, 0.0)


def _final(upart):
    return pl.pallas_call(
        _final_body,
        grid=(N // ROW_BLK,),
        in_specs=[pl.BlockSpec((2, ROW_BLK, TAB_W), lambda i: (0, i, 0))],
        out_specs=pl.BlockSpec((ROW_BLK, D), lambda i: (i, 0)),
        out_shape=jax.ShapeDtypeStruct((N, D), jnp.float32),
    )(upart)


def kernel(node_states, edges, kernel):
    dst = edges[:, 0].reshape(NUM_WORKERS, NUM_BLKS, BLK)
    src = edges[:, 1].reshape(NUM_WORKERS, NUM_BLKS, BLK)
    sd = jnp.stack([src, dst], axis=2)
    tabs, tn = _prep(node_states, kernel)
    tnd = jnp.take(tn, jnp.asarray(_PERM), axis=1).astype(jnp.bfloat16)
    upart = _edge(tabs, tnd, sd)
    return _final(upart)

# --- scband reference (transcript-rebuilt; emitter-appended) ---
"""Pipeline reference for scband-graph-attention-40432822124642 (READ-ONLY COPY).

The authoritative reference and input builder live on the scoring server;
editing this copy changes nothing except your own understanding.
"""

import jax, jax.numpy as jnp
import numpy as np

N = 10000
E = 320000
D = 128
U = 128


def setup_inputs(seed: int = 0) -> dict:
    key = jax.random.key(seed)
    k1, k2, k3, k4 = jax.random.split(key, 4)
    node_states = jax.random.normal(k1, (N, D), dtype=jnp.float32)
    # IMPORTANT: original TF code's repeat/bincount normalization trick requires
    # edges sorted by target (column 0); generate sorted targets.
    targets = jnp.sort(jax.random.randint(k2, (E,), 0, N, dtype=jnp.int32))
    sources = jax.random.randint(k3, (E,), 0, N, dtype=jnp.int32)
    edges = jnp.stack([targets, sources], axis=1)
    # learned parameter: kernel (glorot_uniform-ish scale)
    limit = np.sqrt(6.0 / (D + U)).astype(np.float32)
    kernel = jax.random.uniform(k4, (D, U), dtype=jnp.float32, minval=-limit, maxval=limit)
    return {"node_states": node_states, "edges": edges, "kernel": kernel}


def _l2_normalize(x, axis=-1, epsilon=1e-12):
    sq = jnp.sum(jnp.square(x), axis=axis, keepdims=True)
    return x * jax.lax.rsqrt(jnp.maximum(sq, epsilon))


def reference(node_states, edges, kernel):
    n_nodes = node_states.shape[0]
    node_states_transformed = node_states @ kernel
    node_states_transformed_norm = _l2_normalize(node_states_transformed, axis=-1)
    edge_source = jnp.take(node_states_transformed_norm, edges[:, 1], axis=0)
    edge_target = jnp.take(node_states_transformed_norm, edges[:, 0], axis=0)
    cosine_similarity = jnp.sum(edge_source * edge_target, axis=-1)
    attention_scores = jnp.exp(jnp.clip(cosine_similarity, -2.0, 2.0))
    seg = edges[:, 0]
    attention_scores_sum = jax.ops.segment_sum(attention_scores, seg, num_segments=n_nodes)
    # Equivalent to tf.repeat(sums, bincount(seg)) when seg is sorted: gather per edge.
    attention_scores_norm = attention_scores / attention_scores_sum[seg]
    node_states_neighbors = jnp.take(node_states_transformed, edges[:, 1], axis=0)
    out = jax.ops.segment_sum(node_states_neighbors * attention_scores_norm[:, None], seg, num_segments=n_nodes)
    return out

if __name__ == "__main__":
    import jax
    _d = setup_inputs()
    print(jax.jit(kernel)(*tuple(_d.values())))

</pallas_src>

<mosaic_0001>
#map = affine_map<(d0, d1) -> (0, 0)>
#map1 = affine_map<(d0, d1) -> (0, 0, 0, 0)>
#map2 = affine_map<(d0, d1) -> (0, 0, 0)>
module attributes {stable_mosaic.version = 14 : i64} {
  func.func @_edge(%arg0: i32, %arg1: i32, %arg2: memref<10000x144xf32, #tpu.memory_space<hbm>>, %arg3: memref<10000x128xbf16, #tpu.memory_space<hbm>>, %arg4: memref<32x125x2x80xi32, #tpu.memory_space<hbm>>, %arg5: memref<2x10000x144xf32, #tpu.memory_space<hbm>>, %arg6: memref<2x80xi32, #tpu.memory_space<vmem>>, %arg7: memref<2x80xi32, #tpu.memory_space<vmem>>, %arg8: memref<80xi32, #tpu.memory_space<vmem>>, %arg9: memref<80xi32, #tpu.memory_space<vmem>>, %arg10: memref<80x144xf32, #tpu.memory_space<vmem>>, %arg11: memref<80x144xf32, #tpu.memory_space<vmem>>, %arg12: memref<80x128xbf16, #tpu.memory_space<vmem>>, %arg13: memref<80x128xbf16, #tpu.memory_space<vmem>>, %arg14: memref<10000x144xf32, #tpu.memory_space<vmem_shared>>, %arg15: memref<!tpu.dma_semaphore, #tpu.memory_space<semaphore_mem>>, %arg16: memref<!tpu.dma_semaphore, #tpu.memory_space<semaphore_mem>>, %arg17: memref<!tpu.dma_semaphore, #tpu.memory_space<semaphore_mem>>, %arg18: memref<!tpu.dma_semaphore, #tpu.memory_space<semaphore_mem>>, %arg19: memref<!tpu.dma_semaphore, #tpu.memory_space<semaphore_mem>>, %arg20: memref<!tpu.dma_semaphore, #tpu.memory_space<semaphore_mem>>) attributes {dimension_semantics = [#tpu.dimension_semantics<core_parallel>, #tpu.dimension_semantics<subcore_parallel>], iteration_bounds = array<i64: 2, 16>, scalar_prefetch = 0 : i64, scratch_operands = 15 : i64, tpu.core_type = #tpu.core_type<sc_vector_subcore>, window_params = [{transform_indices = #map}, {transform_indices = #map}, {transform_indices = #map1}, {transform_indices = #map2}]} {
    %mul3A = arith.constant 2 : i32
    %mul3A_0 = arith.muli %arg1, %mul3A : i32
    %add3A = arith.addi %mul3A_0, %arg0 : i32
    %scan3A = arith.constant 0 : i32
    %scan3A_1 = arith.constant 80 : i32
    %scan3A_2 = arith.addi %scan3A, %scan3A_1 : i32
    %scan3A_3 = arith.constant 1 : i32
    scf.for %scan3A_67 = %scan3A to %scan3A_2 step %scan3A_3  : i32 {
      %mul3A_68 = arith.constant 1 : i32
      %mul3A_69 = arith.muli %scan3A_67, %mul3A_68 : i32
      %add3A_70 = arith.constant 0 : i32
      %add3A_71 = arith.addi %add3A_70, %mul3A_69 : i32
      %broadcast_in_dim3A = arith.constant 0.000000e+00 : f32
      %broadcast_in_dim3A_72 = vector.broadcast %broadcast_in_dim3A : f32 to vector<16xf32>
      %swap3A = arith.index_cast %add3A_71 : i32 to index
      %swap3A_73 = arith.constant 0 : index
      %swap3A_74 = tpu.vector_load %arg10[%swap3A, %swap3A_73] {strides = array<i32>} : memref<80x144xf32, #tpu.memory_space<vmem>>, vector<16xf32>,
      tpu.vector_store %arg10[%swap3A, %swap3A_73], %broadcast_in_dim3A_72 {strides = array<i32>} : memref<80x144xf32, #tpu.memory_space<vmem>>, vector<16xf32>,
      %swap3A_75 = arith.index_cast %add3A_71 : i32 to index
      %swap3A_76 = arith.constant 16 : index
      %swap3A_77 = tpu.vector_load %arg10[%swap3A_75, %swap3A_76] {strides = array<i32>} : memref<80x144xf32, #tpu.memory_space<vmem>>, vector<16xf32>,
      tpu.vector_store %arg10[%swap3A_75, %swap3A_76], %broadcast_in_dim3A_72 {strides = array<i32>} : memref<80x144xf32, #tpu.memory_space<vmem>>, vector<16xf32>,
      %swap3A_78 = arith.index_cast %add3A_71 : i32 to index
      %swap3A_79 = arith.constant 32 : index
      %swap3A_80 = tpu.vector_load %arg10[%swap3A_78, %swap3A_79] {strides = array<i32>} : memref<80x144xf32, #tpu.memory_space<vmem>>, vector<16xf32>,
      tpu.vector_store %arg10[%swap3A_78, %swap3A_79], %broadcast_in_dim3A_72 {strides = array<i32>} : memref<80x144xf32, #tpu.memory_space<vmem>>, vector<16xf32>,
      %swap3A_81 = arith.index_cast %add3A_71 : i32 to index
      %swap3A_82 = arith.constant 48 : index
      %swap3A_83 = tpu.vector_load %arg10[%swap3A_81, %swap3A_82] {strides = array<i32>} : memref<80x144xf32, #tpu.memory_space<vmem>>, vector<16xf32>,
      tpu.vector_store %arg10[%swap3A_81, %swap3A_82], %broadcast_in_dim3A_72 {strides = array<i32>} : memref<80x144xf32, #tpu.memory_space<vmem>>, vector<16xf32>,
      %swap3A_84 = arith.index_cast %add3A_71 : i32 to index
      %swap3A_85 = arith.constant 64 : index
      %swap3A_86 = tpu.vector_load %arg10[%swap3A_84, %swap3A_85] {strides = array<i32>} : memref<80x144xf32, #tpu.memory_space<vmem>>, vector<16xf32>,
      tpu.vector_store %arg10[%swap3A_84, %swap3A_85], %broadcast_in_dim3A_72 {strides = array<i32>} : memref<80x144xf32, #tpu.memory_space<vmem>>, vector<16xf32>,
      %swap3A_87 = arith.index_cast %add3A_71 : i32 to index
      %swap3A_88 = arith.constant 80 : index
      %swap3A_89 = tpu.vector_load %arg10[%swap3A_87, %swap3A_88] {strides = array<i32>} : memref<80x144xf32, #tpu.memory_space<vmem>>, vector<16xf32>,
      tpu.vector_store %arg10[%swap3A_87, %swap3A_88], %broadcast_in_dim3A_72 {strides = array<i32>} : memref<80x144xf32, #tpu.memory_space<vmem>>, vector<16xf32>,
      %swap3A_90 = arith.index_cast %add3A_71 : i32 to index
      %swap3A_91 = arith.constant 96 : index
      %swap3A_92 = tpu.vector_load %arg10[%swap3A_90, %swap3A_91] {strides = array<i32>} : memref<80x144xf32, #tpu.memory_space<vmem>>, vector<16xf32>,
      tpu.vector_store %arg10[%swap3A_90, %swap3A_91], %broadcast_in_dim3A_72 {strides = array<i32>} : memref<80x144xf32, #tpu.memory_space<vmem>>, vector<16xf32>,
      %swap3A_93 = arith.index_cast %add3A_71 : i32 to index
      %swap3A_94 = arith.constant 112 : index
      %swap3A_95 = tpu.vector_load %arg10[%swap3A_93, %swap3A_94] {strides = array<i32>} : memref<80x144xf32, #tpu.memory_space<vmem>>, vector<16xf32>,
      tpu.vector_store %arg10[%swap3A_93, %swap3A_94], %broadcast_in_dim3A_72 {strides = array<i32>} : memref<80x144xf32, #tpu.memory_space<vmem>>, vector<16xf32>,
      %swap3A_96 = arith.index_cast %add3A_71 : i32 to index
      %swap3A_97 = arith.constant 128 : index
      %swap3A_98 = tpu.vector_load %arg10[%swap3A_96, %swap3A_97] {strides = array<i32>} : memref<80x144xf32, #tpu.memory_space<vmem>>, vector<16xf32>,
      tpu.vector_store %arg10[%swap3A_96, %swap3A_97], %broadcast_in_dim3A_72 {strides = array<i32>} : memref<80x144xf32, #tpu.memory_space<vmem>>, vector<16xf32>,
    }
    %scan3A_4 = arith.constant 80 : i32
    %mul3A_5 = arith.constant 625 : i32
    %mul3A_6 = arith.muli %arg1, %mul3A_5 : i32
    %add3A_7 = arith.constant 0 : i32
    %add3A_8 = arith.addi %mul3A_6, %add3A_7 : i32
    "tpu.region"() ({
      %run_scoped3A_67 = tpu.sem_alloc : memref<!tpu.dma_semaphore, #tpu.memory_space<semaphore_mem>>
      %dma_start3A_68 = arith.constant 0 : i32
      %dma_start3A_69 = tpu.memref_slice %arg14[%add3A_8, %dma_start3A_68] : memref<10000x144xf32, #tpu.memory_space<vmem_shared>> -> memref<80x144xf32, #tpu.memory_space<vmem_shared>>
      %dma_start3A_70 = arith.constant 0 : i32
      %dma_start3A_71 = tpu.memref_slice %arg14[%add3A_8, %dma_start3A_70] : memref<10000x144xf32, #tpu.memory_space<vmem_shared>> -> memref<80x144xf32, #tpu.memory_space<vmem_shared>>
      tpu.enqueue_dma source(%arg10 : memref<80x144xf32, #tpu.memory_space<vmem>>) target(%dma_start3A_71 : memref<80x144xf32, #tpu.memory_space<vmem_shared>>) target_semaphore(%run_scoped3A_67 : memref<!tpu.dma_semaphore, #tpu.memory_space<semaphore_mem>>)
      %dma_wait3A = arith.constant 0 : i32
      %dma_wait3A_72 = tpu.memref_slice %arg14[%add3A_8, %dma_wait3A] : memref<10000x144xf32, #tpu.memory_space<vmem_shared>> -> memref<80x144xf32, #tpu.memory_space<vmem_shared>>
      %dma_wait3A_73 = arith.constant 0 : i32
      %dma_wait3A_74 = tpu.memref_slice %arg14[%add3A_8, %dma_wait3A_73] : memref<10000x144xf32, #tpu.memory_space<vmem_shared>> -> memref<80x144xf32, #tpu.memory_space<vmem_shared>>
      tpu.wait_dma2 semaphore(%run_scoped3A_67 : memref<!tpu.dma_semaphore, #tpu.memory_space<semaphore_mem>>) src(%arg10 : memref<80x144xf32, #tpu.memory_space<vmem>>) dst(%dma_wait3A_74 : memref<80x144xf32, #tpu.memory_space<vmem_shared>>)
      tpu.yield
    }) : () -> ()
    %add3A_9 = arith.constant 80 : i32
    %add3A_10 = arith.addi %mul3A_6, %add3A_9 : i32
    "tpu.region"() ({
      %run_scoped3A_67 = tpu.sem_alloc : memref<!tpu.dma_semaphore, #tpu.memory_space<semaphore_mem>>
      %dma_start3A_68 = arith.constant 0 : i32
      %dma_start3A_69 = tpu.memref_slice %arg14[%add3A_10, %dma_start3A_68] : memref<10000x144xf32, #tpu.memory_space<vmem_shared>> -> memref<80x144xf32, #tpu.memory_space<vmem_shared>>
      %dma_start3A_70 = arith.constant 0 : i32
      %dma_start3A_71 = tpu.memref_slice %arg14[%add3A_10, %dma_start3A_70] : memref<10000x144xf32, #tpu.memory_space<vmem_shared>> -> memref<80x144xf32, #tpu.memory_space<vmem_shared>>
      tpu.enqueue_dma source(%arg10 : memref<80x144xf32, #tpu.memory_space<vmem>>) target(%dma_start3A_71 : memref<80x144xf32, #tpu.memory_space<vmem_shared>>) target_semaphore(%run_scoped3A_67 : memref<!tpu.dma_semaphore, #tpu.memory_space<semaphore_mem>>)
      %dma_wait3A = arith.constant 0 : i32
      %dma_wait3A_72 = tpu.memref_slice %arg14[%add3A_10, %dma_wait3A] : memref<10000x144xf32, #tpu.memory_space<vmem_shared>> -> memref<80x144xf32, #tpu.memory_space<vmem_shared>>
      %dma_wait3A_73 = arith.constant 0 : i32
      %dma_wait3A_74 = tpu.memref_slice %arg14[%add3A_10, %dma_wait3A_73] : memref<10000x144xf32, #tpu.memory_space<vmem_shared>> -> memref<80x144xf32, #tpu.memory_space<vmem_shared>>
      tpu.wait_dma2 semaphore(%run_scoped3A_67 : memref<!tpu.dma_semaphore, #tpu.memory_space<semaphore_mem>>) src(%arg10 : memref<80x144xf32, #tpu.memory_space<vmem>>) dst(%dma_wait3A_74 : memref<80x144xf32, #tpu.memory_space<vmem_shared>>)
      tpu.yield
    }) : () -> ()
    %add3A_11 = arith.constant 160 : i32
    %add3A_12 = arith.addi %mul3A_6, %add3A_11 : i32
    "tpu.region"() ({
      %run_scoped3A_67 = tpu.sem_alloc : memref<!tpu.dma_semaphore, #tpu.memory_space<semaphore_mem>>
      %dma_start3A_68 = arith.constant 0 : i32
      %dma_start3A_69 = tpu.memref_slice %arg14[%add3A_12, %dma_start3A_68] : memref<10000x144xf32, #tpu.memory_space<vmem_shared>> -> memref<80x144xf32, #tpu.memory_space<vmem_shared>>
      %dma_start3A_70 = arith.constant 0 : i32
      %dma_start3A_71 = tpu.memref_slice %arg14[%add3A_12, %dma_start3A_70] : memref<10000x144xf32, #tpu.memory_space<vmem_shared>> -> memref<80x144xf32, #tpu.memory_space<vmem_shared>>
      tpu.enqueue_dma source(%arg10 : memref<80x144xf32, #tpu.memory_space<vmem>>) target(%dma_start3A_71 : memref<80x144xf32, #tpu.memory_space<vmem_shared>>) target_semaphore(%run_scoped3A_67 : memref<!tpu.dma_semaphore, #tpu.memory_space<semaphore_mem>>)
      %dma_wait3A = arith.constant 0 : i32
      %dma_wait3A_72 = tpu.memref_slice %arg14[%add3A_12, %dma_wait3A] : memref<10000x144xf32, #tpu.memory_space<vmem_shared>> -> memref<80x144xf32, #tpu.memory_space<vmem_shared>>
      %dma_wait3A_73 = arith.constant 0 : i32
      %dma_wait3A_74 = tpu.memref_slice %arg14[%add3A_12, %dma_wait3A_73] : memref<10000x144xf32, #tpu.memory_space<vmem_shared>> -> memref<80x144xf32, #tpu.memory_space<vmem_shared>>
      tpu.wait_dma2 semaphore(%run_scoped3A_67 : memref<!tpu.dma_semaphore, #tpu.memory_space<semaphore_mem>>) src(%arg10 : memref<80x144xf32, #tpu.memory_space<vmem>>) dst(%dma_wait3A_74 : memref<80x144xf32, #tpu.memory_space<vmem_shared>>)
      tpu.yield
    }) : () -> ()
    %add3A_13 = arith.constant 240 : i32
    %add3A_14 = arith.addi %mul3A_6, %add3A_13 : i32
    "tpu.region"() ({
      %run_scoped3A_67 = tpu.sem_alloc : memref<!tpu.dma_semaphore, #tpu.memory_space<semaphore_mem>>
      %dma_start3A_68 = arith.constant 0 : i32
      %dma_start3A_69 = tpu.memref_slice %arg14[%add3A_14, %dma_start3A_68] : memref<10000x144xf32, #tpu.memory_space<vmem_shared>> -> memref<80x144xf32, #tpu.memory_space<vmem_shared>>
      %dma_start3A_70 = arith.constant 0 : i32
      %dma_start3A_71 = tpu.memref_slice %arg14[%add3A_14, %dma_start3A_70] : memref<10000x144xf32, #tpu.memory_space<vmem_shared>> -> memref<80x144xf32, #tpu.memory_space<vmem_shared>>
      tpu.enqueue_dma source(%arg10 : memref<80x144xf32, #tpu.memory_space<vmem>>) target(%dma_start3A_71 : memref<80x144xf32, #tpu.memory_space<vmem_shared>>) target_semaphore(%run_scoped3A_67 : memref<!tpu.dma_semaphore, #tpu.memory_space<semaphore_mem>>)
      %dma_wait3A = arith.constant 0 : i32
      %dma_wait3A_72 = tpu.memref_slice %arg14[%add3A_14, %dma_wait3A] : memref<10000x144xf32, #tpu.memory_space<vmem_shared>> -> memref<80x144xf32, #tpu.memory_space<vmem_shared>>
      %dma_wait3A_73 = arith.constant 0 : i32
      %dma_wait3A_74 = tpu.memref_slice %arg14[%add3A_14, %dma_wait3A_73] : memref<10000x144xf32, #tpu.memory_space<vmem_shared>> -> memref<80x144xf32, #tpu.memory_space<vmem_shared>>
      tpu.wait_dma2 semaphore(%run_scoped3A_67 : memref<!tpu.dma_semaphore, #tpu.memory_space<semaphore_mem>>) src(%arg10 : memref<80x144xf32, #tpu.memory_space<vmem>>) dst(%dma_wait3A_74 : memref<80x144xf32, #tpu.memory_space<vmem_shared>>)
      tpu.yield
    }) : () -> ()
    %add3A_15 = arith.constant 320 : i32
    %add3A_16 = arith.addi %mul3A_6, %add3A_15 : i32
    "tpu.region"() ({
      %run_scoped3A_67 = tpu.sem_alloc : memref<!tpu.dma_semaphore, #tpu.memory_space<semaphore_mem>>
      %dma_start3A_68 = arith.constant 0 : i32
      %dma_start3A_69 = tpu.memref_slice %arg14[%add3A_16, %dma_start3A_68] : memref<10000x144xf32, #tpu.memory_space<vmem_shared>> -> memref<80x144xf32, #tpu.memory_space<vmem_shared>>
      %dma_start3A_70 = arith.constant 0 : i32
      %dma_start3A_71 = tpu.memref_slice %arg14[%add3A_16, %dma_start3A_70] : memref<10000x144xf32, #tpu.memory_space<vmem_shared>> -> memref<80x144xf32, #tpu.memory_space<vmem_shared>>
      tpu.enqueue_dma source(%arg10 : memref<80x144xf32, #tpu.memory_space<vmem>>) target(%dma_start3A_71 : memref<80x144xf32, #tpu.memory_space<vmem_shared>>) target_semaphore(%run_scoped3A_67 : memref<!tpu.dma_semaphore, #tpu.memory_space<semaphore_mem>>)
      %dma_wait3A = arith.constant 0 : i32
      %dma_wait3A_72 = tpu.memref_slice %arg14[%add3A_16, %dma_wait3A] : memref<10000x144xf32, #tpu.memory_space<vmem_shared>> -> memref<80x144xf32, #tpu.memory_space<vmem_shared>>
      %dma_wait3A_73 = arith.constant 0 : i32
      %dma_wait3A_74 = tpu.memref_slice %arg14[%add3A_16, %dma_wait3A_73] : memref<10000x144xf32, #tpu.memory_space<vmem_shared>> -> memref<80x144xf32, #tpu.memory_space<vmem_shared>>
      tpu.wait_dma2 semaphore(%run_scoped3A_67 : memref<!tpu.dma_semaphore, #tpu.memory_space<semaphore_mem>>) src(%arg10 : memref<80x144xf32, #tpu.memory_space<vmem>>) dst(%dma_wait3A_74 : memref<80x144xf32, #tpu.memory_space<vmem_shared>>)
      tpu.yield
    }) : () -> ()
    %add3A_17 = arith.constant 400 : i32
    %add3A_18 = arith.addi %mul3A_6, %add3A_17 : i32
    "tpu.region"() ({
      %run_scoped3A_67 = tpu.sem_alloc : memref<!tpu.dma_semaphore, #tpu.memory_space<semaphore_mem>>
      %dma_start3A_68 = arith.constant 0 : i32
      %dma_start3A_69 = tpu.memref_slice %arg14[%add3A_18, %dma_start3A_68] : memref<10000x144xf32, #tpu.memory_space<vmem_shared>> -> memref<80x144xf32, #tpu.memory_space<vmem_shared>>
      %dma_start3A_70 = arith.constant 0 : i32
      %dma_start3A_71 = tpu.memref_slice %arg14[%add3A_18, %dma_start3A_70] : memref<10000x144xf32, #tpu.memory_space<vmem_shared>> -> memref<80x144xf32, #tpu.memory_space<vmem_shared>>
      tpu.enqueue_dma source(%arg10 : memref<80x144xf32, #tpu.memory_space<vmem>>) target(%dma_start3A_71 : memref<80x144xf32, #tpu.memory_space<vmem_shared>>) target_semaphore(%run_scoped3A_67 : memref<!tpu.dma_semaphore, #tpu.memory_space<semaphore_mem>>)
      %dma_wait3A = arith.constant 0 : i32
      %dma_wait3A_72 = tpu.memref_slice %arg14[%add3A_18, %dma_wait3A] : memref<10000x144xf32, #tpu.memory_space<vmem_shared>> -> memref<80x144xf32, #tpu.memory_space<vmem_shared>>
      %dma_wait3A_73 = arith.constant 0 : i32
      %dma_wait3A_74 = tpu.memref_slice %arg14[%add3A_18, %dma_wait3A_73] : memref<10000x144xf32, #tpu.memory_space<vmem_shared>> -> memref<80x144xf32, #tpu.memory_space<vmem_shared>>
      tpu.wait_dma2 semaphore(%run_scoped3A_67 : memref<!tpu.dma_semaphore, #tpu.memory_space<semaphore_mem>>) src(%arg10 : memref<80x144xf32, #tpu.memory_space<vmem>>) dst(%dma_wait3A_74 : memref<80x144xf32, #tpu.memory_space<vmem_shared>>)
      tpu.yield
    }) : () -> ()
    %add3A_19 = arith.constant 480 : i32
    %add3A_20 = arith.addi %mul3A_6, %add3A_19 : i32
    "tpu.region"() ({
      %run_scoped3A_67 = tpu.sem_alloc : memref<!tpu.dma_semaphore, #tpu.memory_space<semaphore_mem>>
      %dma_start3A_68 = arith.constant 0 : i32
      %dma_start3A_69 = tpu.memref_slice %arg14[%add3A_20, %dma_start3A_68] : memref<10000x144xf32, #tpu.memory_space<vmem_shared>> -> memref<80x144xf32, #tpu.memory_space<vmem_shared>>
      %dma_start3A_70 = arith.constant 0 : i32
      %dma_start3A_71 = tpu.memref_slice %arg14[%add3A_20, %dma_start3A_70] : memref<10000x144xf32, #tpu.memory_space<vmem_shared>> -> memref<80x144xf32, #tpu.memory_space<vmem_shared>>
      tpu.enqueue_dma source(%arg10 : memref<80x144xf32, #tpu.memory_space<vmem>>) target(%dma_start3A_71 : memref<80x144xf32, #tpu.memory_space<vmem_shared>>) target_semaphore(%run_scoped3A_67 : memref<!tpu.dma_semaphore, #tpu.memory_space<semaphore_mem>>)
      %dma_wait3A = arith.constant 0 : i32
      %dma_wait3A_72 = tpu.memref_slice %arg14[%add3A_20, %dma_wait3A] : memref<10000x144xf32, #tpu.memory_space<vmem_shared>> -> memref<80x144xf32, #tpu.memory_space<vmem_shared>>
      %dma_wait3A_73 = arith.constant 0 : i32
      %dma_wait3A_74 = tpu.memref_slice %arg14[%add3A_20, %dma_wait3A_73] : memref<10000x144xf32, #tpu.memory_space<vmem_shared>> -> memref<80x144xf32, #tpu.memory_space<vmem_shared>>
      tpu.wait_dma2 semaphore(%run_scoped3A_67 : memref<!tpu.dma_semaphore, #tpu.memory_space<semaphore_mem>>) src(%arg10 : memref<80x144xf32, #tpu.memory_space<vmem>>) dst(%dma_wait3A_74 : memref<80x144xf32, #tpu.memory_space<vmem_shared>>)
      tpu.yield
    }) : () -> ()
    %add3A_21 = arith.constant 560 : i32
    %add3A_22 = arith.addi %mul3A_6, %add3A_21 : i32
    "tpu.region"() ({
      %run_scoped3A_67 = tpu.sem_alloc : memref<!tpu.dma_semaphore, #tpu.memory_space<semaphore_mem>>
      %dma_start3A_68 = arith.constant 0 : i32
      %dma_start3A_69 = arith.constant 0 : i32
      %dma_start3A_70 = tpu.memref_slice %arg10[%dma_start3A_68, %dma_start3A_69] : memref<80x144xf32, #tpu.memory_space<vmem>> -> memref<65x144xf32, #tpu.memory_space<vmem>>
      %dma_start3A_71 = arith.constant 0 : i32
      %dma_start3A_72 = tpu.memref_slice %arg14[%add3A_22, %dma_start3A_71] : memref<10000x144xf32, #tpu.memory_space<vmem_shared>> -> memref<65x144xf32, #tpu.memory_space<vmem_shared>>
      %dma_start3A_73 = arith.constant 0 : i32
      %dma_start3A_74 = tpu.memref_slice %arg14[%add3A_22, %dma_start3A_73] : memref<10000x144xf32, #tpu.memory_space<vmem_shared>> -> memref<65x144xf32, #tpu.memory_space<vmem_shared>>
      %dma_start3A_75 = arith.constant 0 : i32
      %dma_start3A_76 = arith.constant 0 : i32
      %dma_start3A_77 = tpu.memref_slice %arg10[%dma_start3A_75, %dma_start3A_76] : memref<80x144xf32, #tpu.memory_space<vmem>> -> memref<65x144xf32, #tpu.memory_space<vmem>>
      tpu.enqueue_dma source(%dma_start3A_77 : memref<65x144xf32, #tpu.memory_space<vmem>>) target(%dma_start3A_74 : memref<65x144xf32, #tpu.memory_space<vmem_shared>>) target_semaphore(%run_scoped3A_67 : memref<!tpu.dma_semaphore, #tpu.memory_space<semaphore_mem>>)
      %dma_wait3A = arith.constant 0 : i32
      %dma_wait3A_78 = arith.constant 0 : i32
      %dma_wait3A_79 = tpu.memref_slice %arg10[%dma_wait3A, %dma_wait3A_78] : memref<80x144xf32, #tpu.memory_space<vmem>> -> memref<65x144xf32, #tpu.memory_space<vmem>>
      %dma_wait3A_80 = arith.constant 0 : i32
      %dma_wait3A_81 = tpu.memref_slice %arg14[%add3A_22, %dma_wait3A_80] : memref<10000x144xf32, #tpu.memory_space<vmem_shared>> -> memref<65x144xf32, #tpu.memory_space<vmem_shared>>
      %dma_wait3A_82 = arith.constant 0 : i32
      %dma_wait3A_83 = tpu.memref_slice %arg14[%add3A_22, %dma_wait3A_82] : memref<10000x144xf32, #tpu.memory_space<vmem_shared>> -> memref<65x144xf32, #tpu.memory_space<vmem_shared>>
      %dma_wait3A_84 = arith.constant 0 : i32
      %dma_wait3A_85 = arith.constant 0 : i32
      %dma_wait3A_86 = tpu.memref_slice %arg10[%dma_wait3A_84, %dma_wait3A_85] : memref<80x144xf32, #tpu.memory_space<vmem>> -> memref<65x144xf32, #tpu.memory_space<vmem>>
      tpu.wait_dma2 semaphore(%run_scoped3A_67 : memref<!tpu.dma_semaphore, #tpu.memory_space<semaphore_mem>>) src(%dma_wait3A_86 : memref<65x144xf32, #tpu.memory_space<vmem>>) dst(%dma_wait3A_83 : memref<65x144xf32, #tpu.memory_space<vmem_shared>>)
      tpu.yield
    }) : () -> ()
    %barrier3A = arith.constant 0 : index
    tpu.barrier barrier_id(%barrier3A)
    %run_scoped3A = arith.constant 0 : i32
    "tpu.region"() ({
      %run_scoped3A_67 = tpu.sem_alloc : memref<!tpu.dma_semaphore, #tpu.memory_space<semaphore_mem>>
      %dma_start3A_68 = arith.constant 0 : i32
      %dma_start3A_69 = arith.constant 0 : i32
      %dma_start3A_70 = tpu.memref_slice %arg4[%add3A, %run_scoped3A, %dma_start3A_68, %dma_start3A_69] : memref<32x125x2x80xi32, #tpu.memory_space<hbm>> -> memref<1x1x2x80xi32, #tpu.memory_space<hbm>>
      %dma_start3A_71 = tpu.memref_squeeze %dma_start3A_70 : memref<1x1x2x80xi32, #tpu.memory_space<hbm>> -> memref<2x80xi32, #tpu.memory_space<hbm>>
      %dma_start3A_72 = arith.constant 0 : i32
      %dma_start3A_73 = arith.constant 0 : i32
      %dma_start3A_74 = tpu.memref_slice %arg4[%add3A, %run_scoped3A, %dma_start3A_72, %dma_start3A_73] : memref<32x125x2x80xi32, #tpu.memory_space<hbm>> -> memref<1x1x2x80xi32, #tpu.memory_space<hbm>>
      %dma_start3A_75 = tpu.memref_squeeze %dma_start3A_74 : memref<1x1x2x80xi32, #tpu.memory_space<hbm>> -> memref<2x80xi32, #tpu.memory_space<hbm>>
      tpu.enqueue_dma source(%dma_start3A_75 : memref<2x80xi32, #tpu.memory_space<hbm>>) target(%arg6 : memref<2x80xi32, #tpu.memory_space<vmem>>) target_semaphore(%run_scoped3A_67 : memref<!tpu.dma_semaphore, #tpu.memory_space<semaphore_mem>>)
      %dma_wait3A = arith.constant 0 : i32
      %dma_wait3A_76 = arith.constant 0 : i32
      %dma_wait3A_77 = tpu.memref_slice %arg4[%add3A, %run_scoped3A, %dma_wait3A, %dma_wait3A_76] : memref<32x125x2x80xi32, #tpu.memory_space<hbm>> -> memref<1x1x2x80xi32, #tpu.memory_space<hbm>>
      %dma_wait3A_78 = tpu.memref_squeeze %dma_wait3A_77 : memref<1x1x2x80xi32, #tpu.memory_space<hbm>> -> memref<2x80xi32, #tpu.memory_space<hbm>>
      %dma_wait3A_79 = arith.constant 0 : i32
      %dma_wait3A_80 = arith.constant 0 : i32
      %dma_wait3A_81 = tpu.memref_slice %arg4[%add3A, %run_scoped3A, %dma_wait3A_79, %dma_wait3A_80] : memref<32x125x2x80xi32, #tpu.memory_space<hbm>> -> memref<1x1x2x80xi32, #tpu.memory_space<hbm>>
      %dma_wait3A_82 = tpu.memref_squeeze %dma_wait3A_81 : memref<1x1x2x80xi32, #tpu.memory_space<hbm>> -> memref<2x80xi32, #tpu.memory_space<hbm>>
      tpu.wait_dma2 semaphore(%run_scoped3A_67 : memref<!tpu.dma_semaphore, #tpu.memory_space<semaphore_mem>>) src(%dma_wait3A_82 : memref<2x80xi32, #tpu.memory_space<hbm>>) dst(%arg6 : memref<2x80xi32, #tpu.memory_space<vmem>>)
      tpu.yield
    }) : () -> ()
    %dma_start3A = arith.constant 0 : i32
    %dma_start3A_23 = arith.constant 0 : i32
    %dma_start3A_24 = tpu.memref_slice %arg6[%dma_start3A, %dma_start3A_23] : memref<2x80xi32, #tpu.memory_space<vmem>> -> memref<1x80xi32, #tpu.memory_space<vmem>>
    %dma_start3A_25 = tpu.memref_squeeze %dma_start3A_24 : memref<1x80xi32, #tpu.memory_space<vmem>> -> memref<80xi32, #tpu.memory_space<vmem>>
    %dma_start3A_26 = arith.constant 0 : i32
    %dma_start3A_27 = arith.constant 0 : i32
    %dma_start3A_28 = tpu.memref_slice %arg2[%dma_start3A_26, %dma_start3A_27] : memref<10000x144xf32, #tpu.memory_space<hbm>> -> memref<10000x144xf32, #tpu.memory_space<hbm>>
    tpu.enqueue_indirect_dma source(%dma_start3A_28 : memref<10000x144xf32, #tpu.memory_space<hbm>>) target(%arg10 : memref<80x144xf32, #tpu.memory_space<vmem>>) offsets(%dma_start3A_25 : memref<80xi32, #tpu.memory_space<vmem>>) semaphore(%arg15 : memref<!tpu.dma_semaphore, #tpu.memory_space<semaphore_mem>>)
    %dma_start3A_29 = arith.constant 1 : i32
    %dma_start3A_30 = arith.constant 0 : i32
    %dma_start3A_31 = tpu.memref_slice %arg6[%dma_start3A_29, %dma_start3A_30] : memref<2x80xi32, #tpu.memory_space<vmem>> -> memref<1x80xi32, #tpu.memory_space<vmem>>
    %dma_start3A_32 = tpu.memref_squeeze %dma_start3A_31 : memref<1x80xi32, #tpu.memory_space<vmem>> -> memref<80xi32, #tpu.memory_space<vmem>>
    %dma_start3A_33 = arith.constant 0 : i32
    %dma_start3A_34 = arith.constant 0 : i32
    %dma_start3A_35 = tpu.memref_slice %arg3[%dma_start3A_33, %dma_start3A_34] : memref<10000x128xbf16, #tpu.memory_space<hbm>> -> memref<10000x128xbf16, #tpu.memory_space<hbm>>
    tpu.enqueue_indirect_dma source(%dma_start3A_35 : memref<10000x128xbf16, #tpu.memory_space<hbm>>) target(%arg12 : memref<80x128xbf16, #tpu.memory_space<vmem>>) offsets(%dma_start3A_32 : memref<80xi32, #tpu.memory_space<vmem>>) semaphore(%arg15 : memref<!tpu.dma_semaphore, #tpu.memory_space<semaphore_mem>>)
    %dma_start3A_36 = arith.constant 1 : i32
    %dma_start3A_37 = arith.constant 0 : i32
    %dma_start3A_38 = arith.constant 0 : i32
    %dma_start3A_39 = tpu.memref_slice %arg4[%add3A, %dma_start3A_36, %dma_start3A_37, %dma_start3A_38] : memref<32x125x2x80xi32, #tpu.memory_space<hbm>> -> memref<1x1x2x80xi32, #tpu.memory_space<hbm>>
    %dma_start3A_40 = tpu.memref_squeeze %dma_start3A_39 : memref<1x1x2x80xi32, #tpu.memory_space<hbm>> -> memref<2x80xi32, #tpu.memory_space<hbm>>
    %dma_start3A_41 = arith.constant 0 : i32
    %dma_start3A_42 = arith.constant 0 : i32
    %dma_start3A_43 = tpu.memref_slice %arg4[%add3A, %dma_start3A_36, %dma_start3A_41, %dma_start3A_42] : memref<32x125x2x80xi32, #tpu.memory_space<hbm>> -> memref<1x1x2x80xi32, #tpu.memory_space<hbm>>
    %dma_start3A_44 = tpu.memref_squeeze %dma_start3A_43 : memref<1x1x2x80xi32, #tpu.memory_space<hbm>> -> memref<2x80xi32, #tpu.memory_space<hbm>>
    tpu.enqueue_dma source(%dma_start3A_44 : memref<2x80xi32, #tpu.memory_space<hbm>>) target(%arg7 : memref<2x80xi32, #tpu.memory_space<vmem>>) target_semaphore(%arg18 : memref<!tpu.dma_semaphore, #tpu.memory_space<semaphore_mem>>)
    %dma_start3A_45 = arith.constant 0 : i32
    %dma_start3A_46 = arith.constant 1 : i32
    %dma_start3A_47 = arith.constant 0 : i32
    %dma_start3A_48 = tpu.memref_slice %arg4[%add3A, %dma_start3A_45, %dma_start3A_46, %dma_start3A_47] : memref<32x125x2x80xi32, #tpu.memory_space<hbm>> -> memref<1x1x1x80xi32, #tpu.memory_space<hbm>>
    %dma_start3A_49 = tpu.memref_squeeze %dma_start3A_48 : memref<1x1x1x80xi32, #tpu.memory_space<hbm>> -> memref<80xi32, #tpu.memory_space<hbm>>
    %dma_start3A_50 = arith.constant 0 : i32
    %dma_start3A_51 = tpu.memref_slice %arg4[%add3A, %dma_start3A_45, %dma_start3A_46, %dma_start3A_50] : memref<32x125x2x80xi32, #tpu.memory_space<hbm>> -> memref<1x1x1x80xi32, #tpu.memory_space<hbm>>
    %dma_start3A_52 = tpu.memref_squeeze %dma_start3A_51 : memref<1x1x1x80xi32, #tpu.memory_space<hbm>> -> memref<80xi32, #tpu.memory_space<hbm>>
    tpu.enqueue_dma source(%dma_start3A_52 : memref<80xi32, #tpu.memory_space<hbm>>) target(%arg8 : memref<80xi32, #tpu.memory_space<vmem>>) target_semaphore(%arg19 : memref<!tpu.dma_semaphore, #tpu.memory_space<semaphore_mem>>)
    %dma_start3A_53 = arith.constant 1 : i32
    %dma_start3A_54 = arith.constant 1 : i32
    %dma_start3A_55 = arith.constant 0 : i32
    %dma_start3A_56 = tpu.memref_slice %arg4[%add3A, %dma_start3A_53, %dma_start3A_54, %dma_start3A_55] : memref<32x125x2x80xi32, #tpu.memory_space<hbm>> -> memref<1x1x1x80xi32, #tpu.memory_space<hbm>>
    %dma_start3A_57 = tpu.memref_squeeze %dma_start3A_56 : memref<1x1x1x80xi32, #tpu.memory_space<hbm>> -> memref<80xi32, #tpu.memory_space<hbm>>
    %dma_start3A_58 = arith.constant 0 : i32
    %dma_start3A_59 = tpu.memref_slice %arg4[%add3A, %dma_start3A_53, %dma_start3A_54, %dma_start3A_58] : memref<32x125x2x80xi32, #tpu.memory_space<hbm>> -> memref<1x1x1x80xi32, #tpu.memory_space<hbm>>
    %dma_start3A_60 = tpu.memref_squeeze %dma_start3A_59 : memref<1x1x1x80xi32, #tpu.memory_space<hbm>> -> memref<80xi32, #tpu.memory_space<hbm>>
    tpu.enqueue_dma source(%dma_start3A_60 : memref<80xi32, #tpu.memory_space<hbm>>) target(%arg9 : memref<80xi32, #tpu.memory_space<vmem>>) target_semaphore(%arg20 : memref<!tpu.dma_semaphore, #tpu.memory_space<semaphore_mem>>)
    %scan3A_61 = arith.constant 0 : i32
    %scan3A_62 = arith.constant 125 : i32
    %scan3A_63 = arith.addi %scan3A_61, %scan3A_62 : i32
    %scan3A_64 = arith.constant 1 : i32
    scf.for %scan3A_67 = %scan3A_61 to %scan3A_63 step %scan3A_64  : i32 {
      %mul3A_68 = arith.constant 1 : i32
      %mul3A_69 = arith.muli %scan3A_67, %mul3A_68 : i32
      %add3A_70 = arith.constant 0 : i32
      %add3A_71 = arith.addi %add3A_70, %mul3A_69 : i32
      %jit3A = arith.constant 2 : i32
      %eq3A = arith.constant 0 : i32
      %eq3A_72 = arith.cmpi eq, %jit3A, %eq3A : i32
      %jit3A_73 = arith.constant 1 : i32
      %select_n3A = arith.select %eq3A_72, %jit3A_73, %jit3A : i32
      %rem3A = arith.remsi %add3A_71, %select_n3A : i32
      %ne3A = arith.constant 0 : i32
      %ne3A_74 = arith.cmpi ne, %rem3A, %ne3A : i32
      %lt3A = arith.constant 0 : i32
      %lt3A_75 = arith.cmpi slt, %rem3A, %lt3A : i32
      %lt3A_76 = arith.constant 0 : i32
      %lt3A_77 = arith.cmpi slt, %select_n3A, %lt3A_76 : i32
      %ne3A_78 = arith.xori %lt3A_75, %lt3A_77 : i1
      %and3A = arith.andi %ne3A_78, %ne3A_74 : i1
      %add3A_79 = arith.addi %rem3A, %select_n3A : i32
      %select_n3A_80 = arith.select %and3A, %add3A_79, %rem3A : i32
      %eq3A_81 = arith.constant 0 : i32
      %eq3A_82 = arith.cmpi eq, %select_n3A_80, %eq3A_81 : i32
      %convert_element_type3A = arith.extui %eq3A_82 : i1 to i32
      %cond3A = arith.constant 0 : i32
      %cond3A_83 = arith.cmpi ne, %convert_element_type3A, %cond3A : i32
      scf.if %cond3A_83 {
        %add3A_105 = arith.constant 1 : i32
        %add3A_106 = arith.addi %add3A_71, %add3A_105 : i32
        %lt3A_107 = arith.constant 125 : i32
        %lt3A_108 = arith.cmpi slt, %add3A_106, %lt3A_107 : i32
        %convert_element_type3A_109 = arith.extui %lt3A_108 : i1 to i32
        %cond3A_110 = arith.constant 0 : i32
        %cond3A_111 = arith.cmpi ne, %convert_element_type3A_109, %cond3A_110 : i32
        scf.if %cond3A_111 {
          %add3A_148 = arith.constant 1 : i32
          %add3A_149 = arith.addi %add3A_71, %add3A_148 : i32
          %dma_wait3A_150 = arith.constant 0 : i32
          %dma_wait3A_151 = arith.constant 0 : i32
          %dma_wait3A_152 = tpu.memref_slice %arg4[%add3A, %add3A_149, %dma_wait3A_150, %dma_wait3A_151] : memref<32x125x2x80xi32, #tpu.memory_space<hbm>> -> memref<1x1x2x80xi32, #tpu.memory_space<hbm>>
          %dma_wait3A_153 = tpu.memref_squeeze %dma_wait3A_152 : memref<1x1x2x80xi32, #tpu.memory_space<hbm>> -> memref<2x80xi32, #tpu.memory_space<hbm>>
          %dma_wait3A_154 = arith.constant 0 : i32
          %dma_wait3A_155 = arith.constant 0 : i32
          %dma_wait3A_156 = tpu.memref_slice %arg4[%add3A, %add3A_149, %dma_wait3A_154, %dma_wait3A_155] : memref<32x125x2x80xi32, #tpu.memory_space<hbm>> -> memref<1x1x2x80xi32, #tpu.memory_space<hbm>>
          %dma_wait3A_157 = tpu.memref_squeeze %dma_wait3A_156 : memref<1x1x2x80xi32, #tpu.memory_space<hbm>> -> memref<2x80xi32, #tpu.memory_space<hbm>>
          tpu.wait_dma2 semaphore(%arg18 : memref<!tpu.dma_semaphore, #tpu.memory_space<semaphore_mem>>) src(%dma_wait3A_157 : memref<2x80xi32, #tpu.memory_space<hbm>>) dst(%arg7 : memref<2x80xi32, #tpu.memory_space<vmem>>)
          %dma_start3A_158 = arith.constant 0 : i32
          %dma_start3A_159 = arith.constant 0 : i32
          %dma_start3A_160 = tpu.memref_slice %arg7[%dma_start3A_158, %dma_start3A_159] : memref<2x80xi32, #tpu.memory_space<vmem>> -> memref<1x80xi32, #tpu.memory_space<vmem>>
          %dma_start3A_161 = tpu.memref_squeeze %dma_start3A_160 : memref<1x80xi32, #tpu.memory_space<vmem>> -> memref<80xi32, #tpu.memory_space<vmem>>
          %dma_start3A_162 = arith.constant 0 : i32
          %dma_start3A_163 = arith.constant 0 : i32
          %dma_start3A_164 = tpu.memref_slice %arg2[%dma_start3A_162, %dma_start3A_163] : memref<10000x144xf32, #tpu.memory_space<hbm>> -> memref<10000x144xf32, #tpu.memory_space<hbm>>
          tpu.enqueue_indirect_dma source(%dma_start3A_164 : memref<10000x144xf32, #tpu.memory_space<hbm>>) target(%arg11 : memref<80x144xf32, #tpu.memory_space<vmem>>) offsets(%dma_start3A_161 : memref<80xi32, #tpu.memory_space<vmem>>) semaphore(%arg16 : memref<!tpu.dma_semaphore, #tpu.memory_space<semaphore_mem>>)
          %dma_start3A_165 = arith.constant 1 : i32
          %dma_start3A_166 = arith.constant 0 : i32
          %dma_start3A_167 = tpu.memref_slice %arg7[%dma_start3A_165, %dma_start3A_166] : memref<2x80xi32, #tpu.memory_space<vmem>> -> memref<1x80xi32, #tpu.memory_space<vmem>>
          %dma_start3A_168 = tpu.memref_squeeze %dma_start3A_167 : memref<1x80xi32, #tpu.memory_space<vmem>> -> memref<80xi32, #tpu.memory_space<vmem>>
          %dma_start3A_169 = arith.constant 0 : i32
          %dma_start3A_170 = arith.constant 0 : i32
          %dma_start3A_171 = tpu.memref_slice %arg3[%dma_start3A_169, %dma_start3A_170] : memref<10000x128xbf16, #tpu.memory_space<hbm>> -> memref<10000x128xbf16, #tpu.memory_space<hbm>>
          tpu.enqueue_indirect_dma source(%dma_start3A_171 : memref<10000x128xbf16, #tpu.memory_space<hbm>>) target(%arg13 : memref<80x128xbf16, #tpu.memory_space<vmem>>) offsets(%dma_start3A_168 : memref<80xi32, #tpu.memory_space<vmem>>) semaphore(%arg16 : memref<!tpu.dma_semaphore, #tpu.memory_space<semaphore_mem>>)
        } else {
        }
        %dma_wait3A = arith.constant 0 : i32
        %dma_wait3A_112 = arith.constant 0 : i32
        %dma_wait3A_113 = tpu.memref_slice %arg6[%dma_wait3A, %dma_wait3A_112] : memref<2x80xi32, #tpu.memory_space<vmem>> -> memref<1x80xi32, #tpu.memory_space<vmem>>
        %dma_wait3A_114 = tpu.memref_squeeze %dma_wait3A_113 : memref<1x80xi32, #tpu.memory_space<vmem>> -> memref<80xi32, #tpu.memory_space<vmem>>
        %dma_wait3A_115 = arith.constant 0 : i32
        %dma_wait3A_116 = arith.constant 0 : i32
        %dma_wait3A_117 = tpu.memref_slice %arg2[%dma_wait3A_115, %dma_wait3A_116] : memref<10000x144xf32, #tpu.memory_space<hbm>> -> memref<10000x144xf32, #tpu.memory_space<hbm>>
        tpu.wait_indirect_dma semaphore(%arg15 : memref<!tpu.dma_semaphore, #tpu.memory_space<semaphore_mem>>) src(%dma_wait3A_117 : memref<10000x144xf32, #tpu.memory_space<hbm>>) dst(%arg10 : memref<80x144xf32, #tpu.memory_space<vmem>>)
        %dma_wait3A_118 = arith.constant 1 : i32
        %dma_wait3A_119 = arith.constant 0 : i32
        %dma_wait3A_120 = tpu.memref_slice %arg6[%dma_wait3A_118, %dma_wait3A_119] : memref<2x80xi32, #tpu.memory_space<vmem>> -> memref<1x80xi32, #tpu.memory_space<vmem>>
        %dma_wait3A_121 = tpu.memref_squeeze %dma_wait3A_120 : memref<1x80xi32, #tpu.memory_space<vmem>> -> memref<80xi32, #tpu.memory_space<vmem>>
        %dma_wait3A_122 = arith.constant 0 : i32
        %dma_wait3A_123 = arith.constant 0 : i32
        %dma_wait3A_124 = tpu.memref_slice %arg3[%dma_wait3A_122, %dma_wait3A_123] : memref<10000x128xbf16, #tpu.memory_space<hbm>> -> memref<10000x128xbf16, #tpu.memory_space<hbm>>
        tpu.wait_indirect_dma semaphore(%arg15 : memref<!tpu.dma_semaphore, #tpu.memory_space<semaphore_mem>>) src(%dma_wait3A_124 : memref<10000x128xbf16, #tpu.memory_space<hbm>>) dst(%arg12 : memref<80x128xbf16, #tpu.memory_space<vmem>>)
        %add3A_125 = arith.constant 2 : i32
        %add3A_126 = arith.addi %add3A_71, %add3A_125 : i32
        %lt3A_127 = arith.constant 125 : i32
        %lt3A_128 = arith.cmpi slt, %add3A_126, %lt3A_127 : i32
        %convert_element_type3A_129 = arith.extui %lt3A_128 : i1 to i32
        %cond3A_130 = arith.constant 0 : i32
        %cond3A_131 = arith.cmpi ne, %convert_element_type3A_129, %cond3A_130 : i32
        scf.if %cond3A_131 {
          %add3A_148 = arith.constant 2 : i32
          %add3A_149 = arith.addi %add3A_71, %add3A_148 : i32
          %dma_start3A_150 = arith.constant 0 : i32
          %dma_start3A_151 = arith.constant 0 : i32
          %dma_start3A_152 = tpu.memref_slice %arg4[%add3A, %add3A_149, %dma_start3A_150, %dma_start3A_151] : memref<32x125x2x80xi32, #tpu.memory_space<hbm>> -> memref<1x1x2x80xi32, #tpu.memory_space<hbm>>
          %dma_start3A_153 = tpu.memref_squeeze %dma_start3A_152 : memref<1x1x2x80xi32, #tpu.memory_space<hbm>> -> memref<2x80xi32, #tpu.memory_space<hbm>>
          %dma_start3A_154 = arith.constant 0 : i32
          %dma_start3A_155 = arith.constant 0 : i32
          %dma_start3A_156 = tpu.memref_slice %arg4[%add3A, %add3A_149, %dma_start3A_154, %dma_start3A_155] : memref<32x125x2x80xi32, #tpu.memory_space<hbm>> -> memref<1x1x2x80xi32, #tpu.memory_space<hbm>>
          %dma_start3A_157 = tpu.memref_squeeze %dma_start3A_156 : memref<1x1x2x80xi32, #tpu.memory_space<hbm>> -> memref<2x80xi32, #tpu.memory_space<hbm>>
          tpu.enqueue_dma source(%dma_start3A_157 : memref<2x80xi32, #tpu.memory_space<hbm>>) target(%arg6 : memref<2x80xi32, #tpu.memory_space<vmem>>) target_semaphore(%arg17 : memref<!tpu.dma_semaphore, #tpu.memory_space<semaphore_mem>>)
        } else {
        }
        %parallel_loop3A = arith.constant 0 : i32
        %parallel_loop3A_132 = arith.constant 80 : i32
        %parallel_loop3A_133 = arith.constant 1 : i32
        scf.for %parallel_loop3A_148 = %parallel_loop3A to %parallel_loop3A_132 step %parallel_loop3A_133  : i32 {
          %parallel_loop3A_149 = arith.index_cast %parallel_loop3A_148 : i32 to index
          %parallel_loop3A_150 = arith.constant 0 : index
          %parallel_loop3A_151 = tpu.vector_load %arg10[%parallel_loop3A_149, %parallel_loop3A_150] {strides = array<i32>} : memref<80x144xf32, #tpu.memory_space<vmem>>, vector<16xf32>,
          %parallel_loop3A_152 = arith.index_cast %parallel_loop3A_148 : i32 to index
          %parallel_loop3A_153 = arith.constant 16 : index
          %parallel_loop3A_154 = tpu.vector_load %arg10[%parallel_loop3A_152, %parallel_loop3A_153] {strides = array<i32>} : memref<80x144xf32, #tpu.memory_space<vmem>>, vector<16xf32>,
          %parallel_loop3A_155 = arith.index_cast %parallel_loop3A_148 : i32 to index
          %parallel_loop3A_156 = arith.constant 32 : index
          %parallel_loop3A_157 = tpu.vector_load %arg10[%parallel_loop3A_155, %parallel_loop3A_156] {strides = array<i32>} : memref<80x144xf32, #tpu.memory_space<vmem>>, vector<16xf32>,
          %parallel_loop3A_158 = arith.index_cast %parallel_loop3A_148 : i32 to index
          %parallel_loop3A_159 = arith.constant 48 : index
          %parallel_loop3A_160 = tpu.vector_load %arg10[%parallel_loop3A_158, %parallel_loop3A_159] {strides = array<i32>} : memref<80x144xf32, #tpu.memory_space<vmem>>, vector<16xf32>,
          %parallel_loop3A_161 = arith.index_cast %parallel_loop3A_148 : i32 to index
          %parallel_loop3A_162 = arith.constant 64 : index
          %parallel_loop3A_163 = tpu.vector_load %arg10[%parallel_loop3A_161, %parallel_loop3A_162] {strides = array<i32>} : memref<80x144xf32, #tpu.memory_space<vmem>>, vector<16xf32>,
          %parallel_loop3A_164 = arith.index_cast %parallel_loop3A_148 : i32 to index
          %parallel_loop3A_165 = arith.constant 80 : index
          %parallel_loop3A_166 = tpu.vector_load %arg10[%parallel_loop3A_164, %parallel_loop3A_165] {strides = array<i32>} : memref<80x144xf32, #tpu.memory_space<vmem>>, vector<16xf32>,
          %parallel_loop3A_167 = arith.index_cast %parallel_loop3A_148 : i32 to index
          %parallel_loop3A_168 = arith.constant 96 : index
          %parallel_loop3A_169 = tpu.vector_load %arg10[%parallel_loop3A_167, %parallel_loop3A_168] {strides = array<i32>} : memref<80x144xf32, #tpu.memory_space<vmem>>, vector<16xf32>,
          %parallel_loop3A_170 = arith.index_cast %parallel_loop3A_148 : i32 to index
          %parallel_loop3A_171 = arith.constant 112 : index
          %parallel_loop3A_172 = tpu.vector_load %arg10[%parallel_loop3A_170, %parallel_loop3A_171] {strides = array<i32>} : memref<80x144xf32, #tpu.memory_space<vmem>>, vector<16xf32>,
          %parallel_loop3A_173 = arith.index_cast %parallel_loop3A_148 : i32 to index
          %parallel_loop3A_174 = arith.constant 128 : index
          %parallel_loop3A_175 = tpu.vector_load %arg10[%parallel_loop3A_173, %parallel_loop3A_174] {strides = array<i32>} : memref<80x144xf32, #tpu.memory_space<vmem>>, vector<16xf32>,
          %parallel_loop3A_176 = arith.index_cast %parallel_loop3A_148 : i32 to index
          %parallel_loop3A_177 = arith.constant 0 : index
          %parallel_loop3A_178 = tpu.vector_load %arg12[%parallel_loop3A_176, %parallel_loop3A_177] {strides = array<i32>} : memref<80x128xbf16, #tpu.memory_space<vmem>>, vector<32xbf16>,
          %parallel_loop3A_179 = tpu.unpack_subelements %parallel_loop3A_178, 0 {pack_format = #tpu.pack_format<interleaved>} : vector<32xbf16> -> vector<16xf32>
          %parallel_loop3A_180 = tpu.unpack_subelements %parallel_loop3A_178, 1 {pack_format = #tpu.pack_format<interleaved>} : vector<32xbf16> -> vector<16xf32>
          %parallel_loop3A_181 = arith.mulf %parallel_loop3A_151, %parallel_loop3A_179 : vector<16xf32>
          %parallel_loop3A_182 = arith.mulf %parallel_loop3A_154, %parallel_loop3A_180 : vector<16xf32>
          %parallel_loop3A_183 = arith.index_cast %parallel_loop3A_148 : i32 to index
          %parallel_loop3A_184 = arith.constant 32 : index
          %parallel_loop3A_185 = tpu.vector_load %arg12[%parallel_loop3A_183, %parallel_loop3A_184] {strides = array<i32>} : memref<80x128xbf16, #tpu.memory_space<vmem>>, vector<32xbf16>,
          %parallel_loop3A_186 = tpu.unpack_subelements %parallel_loop3A_185, 0 {pack_format = #tpu.pack_format<interleaved>} : vector<32xbf16> -> vector<16xf32>
          %parallel_loop3A_187 = tpu.unpack_subelements %parallel_loop3A_185, 1 {pack_format = #tpu.pack_format<interleaved>} : vector<32xbf16> -> vector<16xf32>
          %parallel_loop3A_188 = arith.mulf %parallel_loop3A_157, %parallel_loop3A_186 : vector<16xf32>
          %parallel_loop3A_189 = arith.mulf %parallel_loop3A_160, %parallel_loop3A_187 : vector<16xf32>
          %parallel_loop3A_190 = arith.index_cast %parallel_loop3A_148 : i32 to index
          %parallel_loop3A_191 = arith.constant 64 : index
          %parallel_loop3A_192 = tpu.vector_load %arg12[%parallel_loop3A_190, %parallel_loop3A_191] {strides = array<i32>} : memref<80x128xbf16, #tpu.memory_space<vmem>>, vector<32xbf16>,
          %parallel_loop3A_193 = tpu.unpack_subelements %parallel_loop3A_192, 0 {pack_format = #tpu.pack_format<interleaved>} : vector<32xbf16> -> vector<16xf32>
          %parallel_loop3A_194 = tpu.unpack_subelements %parallel_loop3A_192, 1 {pack_format = #tpu.pack_format<interleaved>} : vector<32xbf16> -> vector<16xf32>
          %parallel_loop3A_195 = arith.mulf %parallel_loop3A_163, %parallel_loop3A_193 : vector<16xf32>
          %parallel_loop3A_196 = arith.mulf %parallel_loop3A_166, %parallel_loop3A_194 : vector<16xf32>
          %parallel_loop3A_197 = arith.index_cast %parallel_loop3A_148 : i32 to index
          %parallel_loop3A_198 = arith.constant 96 : index
          %parallel_loop3A_199 = tpu.vector_load %arg12[%parallel_loop3A_197, %parallel_loop3A_198] {strides = array<i32>} : memref<80x128xbf16, #tpu.memory_space<vmem>>, vector<32xbf16>,
          %parallel_loop3A_200 = tpu.unpack_subelements %parallel_loop3A_199, 0 {pack_format = #tpu.pack_format<interleaved>} : vector<32xbf16> -> vector<16xf32>
          %parallel_loop3A_201 = tpu.unpack_subelements %parallel_loop3A_199, 1 {pack_format = #tpu.pack_format<interleaved>} : vector<32xbf16> -> vector<16xf32>
          %parallel_loop3A_202 = arith.mulf %parallel_loop3A_169, %parallel_loop3A_200 : vector<16xf32>
          %parallel_loop3A_203 = arith.mulf %parallel_loop3A_172, %parallel_loop3A_201 : vector<16xf32>
          %parallel_loop3A_204 = arith.addf %parallel_loop3A_181, %parallel_loop3A_182 : vector<16xf32>
          %parallel_loop3A_205 = arith.addf %parallel_loop3A_188, %parallel_loop3A_189 : vector<16xf32>
          %parallel_loop3A_206 = arith.addf %parallel_loop3A_195, %parallel_loop3A_196 : vector<16xf32>
          %parallel_loop3A_207 = arith.addf %parallel_loop3A_202, %parallel_loop3A_203 : vector<16xf32>
          %parallel_loop3A_208 = arith.addf %parallel_loop3A_204, %parallel_loop3A_205 : vector<16xf32>
          %parallel_loop3A_209 = arith.addf %parallel_loop3A_206, %parallel_loop3A_207 : vector<16xf32>
          %parallel_loop3A_210 = arith.addf %parallel_loop3A_208, %parallel_loop3A_209 : vector<16xf32>
          %parallel_loop3A_211 = vector.extract_strided_slice %parallel_loop3A_175 {offsets = [1], sizes = [1], strides = [1]} : vector<16xf32> to vector<1xf32>
          %parallel_loop3A_212 = vector.extract %parallel_loop3A_211[0] : f32 from vector<1xf32>
          %parallel_loop3A_213 = arith.constant true
          %parallel_loop3A_214 = vector.broadcast %parallel_loop3A_213 : i1 to vector<16xi1>
          %parallel_loop3A_215 = tpu.scan <sum>, %parallel_loop3A_210 masked %parallel_loop3A_214 : vector<16xf32>, vector<16xi1> -> vector<16xf32>
          %parallel_loop3A_216 = vector.extract %parallel_loop3A_215[15] : f32 from vector<16xf32>
          %parallel_loop3A_217 = arith.mulf %parallel_loop3A_216, %parallel_loop3A_212 : f32
          %parallel_loop3A_218 = vector.broadcast %parallel_loop3A_217 : f32 to vector<16xf32>
          %parallel_loop3A_219 = arith.constant -2.000000e+00 : f32
          %parallel_loop3A_220 = arith.constant 2.000000e+00 : f32
          %parallel_loop3A_221 = vector.broadcast %parallel_loop3A_219 : f32 to vector<16xf32>
          %parallel_loop3A_222 = arith.maximumf %parallel_loop3A_221, %parallel_loop3A_218 : vector<16xf32>
          %parallel_loop3A_223 = vector.broadcast %parallel_loop3A_220 : f32 to vector<16xf32>
          %parallel_loop3A_224 = arith.minimumf %parallel_loop3A_223, %parallel_loop3A_222 : vector<16xf32>
          %parallel_loop3A_225 = math.exp %parallel_loop3A_224 : vector<16xf32>
          %parallel_loop3A_226 = arith.mulf %parallel_loop3A_151, %parallel_loop3A_225 : vector<16xf32>
          %parallel_loop3A_227 = arith.index_cast %parallel_loop3A_148 : i32 to index
          %parallel_loop3A_228 = arith.constant 0 : index
          %parallel_loop3A_229 = tpu.vector_load %arg10[%parallel_loop3A_227, %parallel_loop3A_228] {strides = array<i32>} : memref<80x144xf32, #tpu.memory_space<vmem>>, vector<16xf32>,
          tpu.vector_store %arg10[%parallel_loop3A_227, %parallel_loop3A_228], %parallel_loop3A_226 {strides = array<i32>} : memref<80x144xf32, #tpu.memory_space<vmem>>, vector<16xf32>,
          %parallel_loop3A_230 = arith.mulf %parallel_loop3A_154, %parallel_loop3A_225 : vector<16xf32>
          %parallel_loop3A_231 = arith.index_cast %parallel_loop3A_148 : i32 to index
          %parallel_loop3A_232 = arith.constant 16 : index
          %parallel_loop3A_233 = tpu.vector_load %arg10[%parallel_loop3A_231, %parallel_loop3A_232] {strides = array<i32>} : memref<80x144xf32, #tpu.memory_space<vmem>>, vector<16xf32>,
          tpu.vector_store %arg10[%parallel_loop3A_231, %parallel_loop3A_232], %parallel_loop3A_230 {strides = array<i32>} : memref<80x144xf32, #tpu.memory_space<vmem>>, vector<16xf32>,
          %parallel_loop3A_234 = arith.mulf %parallel_loop3A_157, %parallel_loop3A_225 : vector<16xf32>
          %parallel_loop3A_235 = arith.index_cast %parallel_loop3A_148 : i32 to index
          %parallel_loop3A_236 = arith.constant 32 : index
          %parallel_loop3A_237 = tpu.vector_load %arg10[%parallel_loop3A_235, %parallel_loop3A_236] {strides = array<i32>} : memref<80x144xf32, #tpu.memory_space<vmem>>, vector<16xf32>,
          tpu.vector_store %arg10[%parallel_loop3A_235, %parallel_loop3A_236], %parallel_loop3A_234 {strides = array<i32>} : memref<80x144xf32, #tpu.memory_space<vmem>>, vector<16xf32>,
          %parallel_loop3A_238 = arith.mulf %parallel_loop3A_160, %parallel_loop3A_225 : vector<16xf32>
          %parallel_loop3A_239 = arith.index_cast %parallel_loop3A_148 : i32 to index
          %parallel_loop3A_240 = arith.constant 48 : index
          %parallel_loop3A_241 = tpu.vector_load %arg10[%parallel_loop3A_239, %parallel_loop3A_240] {strides = array<i32>} : memref<80x144xf32, #tpu.memory_space<vmem>>, vector<16xf32>,
          tpu.vector_store %arg10[%parallel_loop3A_239, %parallel_loop3A_240], %parallel_loop3A_238 {strides = array<i32>} : memref<80x144xf32, #tpu.memory_space<vmem>>, vector<16xf32>,
          %parallel_loop3A_242 = arith.mulf %parallel_loop3A_163, %parallel_loop3A_225 : vector<16xf32>
          %parallel_loop3A_243 = arith.index_cast %parallel_loop3A_148 : i32 to index
          %parallel_loop3A_244 = arith.constant 64 : index
          %parallel_loop3A_245 = tpu.vector_load %arg10[%parallel_loop3A_243, %parallel_loop3A_244] {strides = array<i32>} : memref<80x144xf32, #tpu.memory_space<vmem>>, vector<16xf32>,
          tpu.vector_store %arg10[%parallel_loop3A_243, %parallel_loop3A_244], %parallel_loop3A_242 {strides = array<i32>} : memref<80x144xf32, #tpu.memory_space<vmem>>, vector<16xf32>,
          %parallel_loop3A_246 = arith.mulf %parallel_loop3A_166, %parallel_loop3A_225 : vector<16xf32>
          %parallel_loop3A_247 = arith.index_cast %parallel_loop3A_148 : i32 to index
          %parallel_loop3A_248 = arith.constant 80 : index
          %parallel_loop3A_249 = tpu.vector_load %arg10[%parallel_loop3A_247, %parallel_loop3A_248] {strides = array<i32>} : memref<80x144xf32, #tpu.memory_space<vmem>>, vector<16xf32>,
          tpu.vector_store %arg10[%parallel_loop3A_247, %parallel_loop3A_248], %parallel_loop3A_246 {strides = array<i32>} : memref<80x144xf32, #tpu.memory_space<vmem>>, vector<16xf32>,
          %parallel_loop3A_250 = arith.mulf %parallel_loop3A_169, %parallel_loop3A_225 : vector<16xf32>
          %parallel_loop3A_251 = arith.index_cast %parallel_loop3A_148 : i32 to index
          %parallel_loop3A_252 = arith.constant 96 : index
          %parallel_loop3A_253 = tpu.vector_load %arg10[%parallel_loop3A_251, %parallel_loop3A_252] {strides = array<i32>} : memref<80x144xf32, #tpu.memory_space<vmem>>, vector<16xf32>,
          tpu.vector_store %arg10[%parallel_loop3A_251, %parallel_loop3A_252], %parallel_loop3A_250 {strides = array<i32>} : memref<80x144xf32, #tpu.memory_space<vmem>>, vector<16xf32>,
          %parallel_loop3A_254 = arith.mulf %parallel_loop3A_172, %parallel_loop3A_225 : vector<16xf32>
          %parallel_loop3A_255 = arith.index_cast %parallel_loop3A_148 : i32 to index
          %parallel_loop3A_256 = arith.constant 112 : index
          %parallel_loop3A_257 = tpu.vector_load %arg10[%parallel_loop3A_255, %parallel_loop3A_256] {strides = array<i32>} : memref<80x144xf32, #tpu.memory_space<vmem>>, vector<16xf32>,
          tpu.vector_store %arg10[%parallel_loop3A_255, %parallel_loop3A_256], %parallel_loop3A_254 {strides = array<i32>} : memref<80x144xf32, #tpu.memory_space<vmem>>, vector<16xf32>,
          %parallel_loop3A_258 = arith.mulf %parallel_loop3A_175, %parallel_loop3A_225 : vector<16xf32>
          %parallel_loop3A_259 = arith.index_cast %parallel_loop3A_148 : i32 to index
          %parallel_loop3A_260 = arith.constant 128 : index
          %parallel_loop3A_261 = tpu.vector_load %arg10[%parallel_loop3A_259, %parallel_loop3A_260] {strides = array<i32>} : memref<80x144xf32, #tpu.memory_space<vmem>>, vector<16xf32>,
          tpu.vector_store %arg10[%parallel_loop3A_259, %parallel_loop3A_260], %parallel_loop3A_258 {strides = array<i32>} : memref<80x144xf32, #tpu.memory_space<vmem>>, vector<16xf32>,
        } {sc.loop_unroll_factor = 2 : i64, sc.parallel_access}
        %dma_wait3A_134 = arith.constant 1 : i32
        %dma_wait3A_135 = arith.constant 0 : i32
        %dma_wait3A_136 = tpu.memref_slice %arg4[%add3A, %add3A_71, %dma_wait3A_134, %dma_wait3A_135] : memref<32x125x2x80xi32, #tpu.memory_space<hbm>> -> memref<1x1x1x80xi32, #tpu.memory_space<hbm>>
        %dma_wait3A_137 = tpu.memref_squeeze %dma_wait3A_136 : memref<1x1x1x80xi32, #tpu.memory_space<hbm>> -> memref<80xi32, #tpu.memory_space<hbm>>
        %dma_wait3A_138 = arith.constant 0 : i32
        %dma_wait3A_139 = tpu.memref_slice %arg4[%add3A, %add3A_71, %dma_wait3A_134, %dma_wait3A_138] : memref<32x125x2x80xi32, #tpu.memory_space<hbm>> -> memref<1x1x1x80xi32, #tpu.memory_space<hbm>>
        %dma_wait3A_140 = tpu.memref_squeeze %dma_wait3A_139 : memref<1x1x1x80xi32, #tpu.memory_space<hbm>> -> memref<80xi32, #tpu.memory_space<hbm>>
        tpu.wait_dma2 semaphore(%arg19 : memref<!tpu.dma_semaphore, #tpu.memory_space<semaphore_mem>>) src(%dma_wait3A_140 : memref<80xi32, #tpu.memory_space<hbm>>) dst(%arg8 : memref<80xi32, #tpu.memory_space<vmem>>)
        "tpu.region"() ({
          %run_scoped3A_148 = tpu.sem_alloc : memref<!tpu.dma_semaphore, #tpu.memory_space<semaphore_mem>>
          %dma_start3A_149 = arith.constant 0 : i32
          %dma_start3A_150 = arith.constant 0 : i32
          %dma_start3A_151 = tpu.memref_slice %arg14[%dma_start3A_149, %dma_start3A_150] : memref<10000x144xf32, #tpu.memory_space<vmem_shared>> -> memref<10000x144xf32, #tpu.memory_space<vmem_shared>>
          tpu.enqueue_indirect_dma source(%arg10 : memref<80x144xf32, #tpu.memory_space<vmem>>) target(%dma_start3A_151 : memref<10000x144xf32, #tpu.memory_space<vmem_shared>>) offsets(%arg8 : memref<80xi32, #tpu.memory_space<vmem>>) semaphore(%run_scoped3A_148 : memref<!tpu.dma_semaphore, #tpu.memory_space<semaphore_mem>>) {add = true}
          %dma_wait3A_152 = arith.constant 0 : i32
          %dma_wait3A_153 = arith.constant 0 : i32
          %dma_wait3A_154 = tpu.memref_slice %arg14[%dma_wait3A_152, %dma_wait3A_153] : memref<10000x144xf32, #tpu.memory_space<vmem_shared>> -> memref<10000x144xf32, #tpu.memory_space<vmem_shared>>
          tpu.wait_indirect_dma semaphore(%run_scoped3A_148 : memref<!tpu.dma_semaphore, #tpu.memory_space<semaphore_mem>>) src(%arg10 : memref<80x144xf32, #tpu.memory_space<vmem>>) dst(%dma_wait3A_154 : memref<10000x144xf32, #tpu.memory_space<vmem_shared>>)
          tpu.yield
        }) : () -> ()
        %add3A_141 = arith.constant 2 : i32
        %add3A_142 = arith.addi %add3A_71, %add3A_141 : i32
        %lt3A_143 = arith.constant 125 : i32
        %lt3A_144 = arith.cmpi slt, %add3A_142, %lt3A_143 : i32
        %convert_element_type3A_145 = arith.extui %lt3A_144 : i1 to i32
        %cond3A_146 = arith.constant 0 : i32
        %cond3A_147 = arith.cmpi ne, %convert_element_type3A_145, %cond3A_146 : i32
        scf.if %cond3A_147 {
          %add3A_148 = arith.constant 2 : i32
          %add3A_149 = arith.addi %add3A_71, %add3A_148 : i32
          %dma_start3A_150 = arith.constant 1 : i32
          %dma_start3A_151 = arith.constant 0 : i32
          %dma_start3A_152 = tpu.memref_slice %arg4[%add3A, %add3A_149, %dma_start3A_150, %dma_start3A_151] : memref<32x125x2x80xi32, #tpu.memory_space<hbm>> -> memref<1x1x1x80xi32, #tpu.memory_space<hbm>>
          %dma_start3A_153 = tpu.memref_squeeze %dma_start3A_152 : memref<1x1x1x80xi32, #tpu.memory_space<hbm>> -> memref<80xi32, #tpu.memory_space<hbm>>
          %dma_start3A_154 = arith.constant 0 : i32
          %dma_start3A_155 = tpu.memref_slice %arg4[%add3A, %add3A_149, %dma_start3A_150, %dma_start3A_154] : memref<32x125x2x80xi32, #tpu.memory_space<hbm>> -> memref<1x1x1x80xi32, #tpu.memory_space<hbm>>
          %dma_start3A_156 = tpu.memref_squeeze %dma_start3A_155 : memref<1x1x1x80xi32, #tpu.memory_space<hbm>> -> memref<80xi32, #tpu.memory_space<hbm>>
          tpu.enqueue_dma source(%dma_start3A_156 : memref<80xi32, #tpu.memory_space<hbm>>) target(%arg8 : memref<80xi32, #tpu.memory_space<vmem>>) target_semaphore(%arg19 : memref<!tpu.dma_semaphore, #tpu.memory_space<semaphore_mem>>)
        } else {
        }
      } else {
      }
      %jit3A_84 = arith.constant 2 : i32
      %eq3A_85 = arith.constant 0 : i32
      %eq3A_86 = arith.cmpi eq, %jit3A_84, %eq3A_85 : i32
      %jit3A_87 = arith.constant 1 : i32
      %select_n3A_88 = arith.select %eq3A_86, %jit3A_87, %jit3A_84 : i32
      %rem3A_89 = arith.remsi %add3A_71, %select_n3A_88 : i32
      %ne3A_90 = arith.constant 0 : i32
      %ne3A_91 = arith.cmpi ne, %rem3A_89, %ne3A_90 : i32
      %lt3A_92 = arith.constant 0 : i32
      %lt3A_93 = arith.cmpi slt, %rem3A_89, %lt3A_92 : i32
      %lt3A_94 = arith.constant 0 : i32
      %lt3A_95 = arith.cmpi slt, %select_n3A_88, %lt3A_94 : i32
      %ne3A_96 = arith.xori %lt3A_93, %lt3A_95 : i1
      %and3A_97 = arith.andi %ne3A_96, %ne3A_91 : i1
      %add3A_98 = arith.addi %rem3A_89, %select_n3A_88 : i32
      %select_n3A_99 = arith.select %and3A_97, %add3A_98, %rem3A_89 : i32
      %eq3A_100 = arith.constant 1 : i32
      %eq3A_101 = arith.cmpi eq, %select_n3A_99, %eq3A_100 : i32
      %convert_element_type3A_102 = arith.extui %eq3A_101 : i1 to i32
      %cond3A_103 = arith.constant 0 : i32
      %cond3A_104 = arith.cmpi ne, %convert_element_type3A_102, %cond3A_103 : i32
      scf.if %cond3A_104 {
        %add3A_105 = arith.constant 1 : i32
        %add3A_106 = arith.addi %add3A_71, %add3A_105 : i32
        %lt3A_107 = arith.constant 125 : i32
        %lt3A_108 = arith.cmpi slt, %add3A_106, %lt3A_107 : i32
        %convert_element_type3A_109 = arith.extui %lt3A_108 : i1 to i32
        %cond3A_110 = arith.constant 0 : i32
        %cond3A_111 = arith.cmpi ne, %convert_element_type3A_109, %cond3A_110 : i32
        scf.if %cond3A_111 {
          %add3A_148 = arith.constant 1 : i32
          %add3A_149 = arith.addi %add3A_71, %add3A_148 : i32
          %dma_wait3A_150 = arith.constant 0 : i32
          %dma_wait3A_151 = arith.constant 0 : i32
          %dma_wait3A_152 = tpu.memref_slice %arg4[%add3A, %add3A_149, %dma_wait3A_150, %dma_wait3A_151] : memref<32x125x2x80xi32, #tpu.memory_space<hbm>> -> memref<1x1x2x80xi32, #tpu.memory_space<hbm>>
          %dma_wait3A_153 = tpu.memref_squeeze %dma_wait3A_152 : memref<1x1x2x80xi32, #tpu.memory_space<hbm>> -> memref<2x80xi32, #tpu.memory_space<hbm>>
          %dma_wait3A_154 = arith.constant 0 : i32
          %dma_wait3A_155 = arith.constant 0 : i32
          %dma_wait3A_156 = tpu.memref_slice %arg4[%add3A, %add3A_149, %dma_wait3A_154, %dma_wait3A_155] : memref<32x125x2x80xi32, #tpu.memory_space<hbm>> -> memref<1x1x2x80xi32, #tpu.memory_space<hbm>>
          %dma_wait3A_157 = tpu.memref_squeeze %dma_wait3A_156 : memref<1x1x2x80xi32, #tpu.memory_space<hbm>> -> memref<2x80xi32, #tpu.memory_space<hbm>>
          tpu.wait_dma2 semaphore(%arg17 : memref<!tpu.dma_semaphore, #tpu.memory_space<semaphore_mem>>) src(%dma_wait3A_157 : memref<2x80xi32, #tpu.memory_space<hbm>>) dst(%arg6 : memref<2x80xi32, #tpu.memory_space<vmem>>)
          %dma_start3A_158 = arith.constant 0 : i32
          %dma_start3A_159 = arith.constant 0 : i32
          %dma_start3A_160 = tpu.memref_slice %arg6[%dma_start3A_158, %dma_start3A_159] : memref<2x80xi32, #tpu.memory_space<vmem>> -> memref<1x80xi32, #tpu.memory_space<vmem>>
          %dma_start3A_161 = tpu.memref_squeeze %dma_start3A_160 : memref<1x80xi32, #tpu.memory_space<vmem>> -> memref<80xi32, #tpu.memory_space<vmem>>
          %dma_start3A_162 = arith.constant 0 : i32
          %dma_start3A_163 = arith.constant 0 : i32
          %dma_start3A_164 = tpu.memref_slice %arg2[%dma_start3A_162, %dma_start3A_163] : memref<10000x144xf32, #tpu.memory_space<hbm>> -> memref<10000x144xf32, #tpu.memory_space<hbm>>
          tpu.enqueue_indirect_dma source(%dma_start3A_164 : memref<10000x144xf32, #tpu.memory_space<hbm>>) target(%arg10 : memref<80x144xf32, #tpu.memory_space<vmem>>) offsets(%dma_start3A_161 : memref<80xi32, #tpu.memory_space<vmem>>) semaphore(%arg15 : memref<!tpu.dma_semaphore, #tpu.memory_space<semaphore_mem>>)
          %dma_start3A_165 = arith.constant 1 : i32
          %dma_start3A_166 = arith.constant 0 : i32
          %dma_start3A_167 = tpu.memref_slice %arg6[%dma_start3A_165, %dma_start3A_166] : memref<2x80xi32, #tpu.memory_space<vmem>> -> memref<1x80xi32, #tpu.memory_space<vmem>>
          %dma_start3A_168 = tpu.memref_squeeze %dma_start3A_167 : memref<1x80xi32, #tpu.memory_space<vmem>> -> memref<80xi32, #tpu.memory_space<vmem>>
          %dma_start3A_169 = arith.constant 0 : i32
          %dma_start3A_170 = arith.constant 0 : i32
          %dma_start3A_171 = tpu.memref_slice %arg3[%dma_start3A_169, %dma_start3A_170] : memref<10000x128xbf16, #tpu.memory_space<hbm>> -> memref<10000x128xbf16, #tpu.memory_space<hbm>>
          tpu.enqueue_indirect_dma source(%dma_start3A_171 : memref<10000x128xbf16, #tpu.memory_space<hbm>>) target(%arg12 : memref<80x128xbf16, #tpu.memory_space<vmem>>) offsets(%dma_start3A_168 : memref<80xi32, #tpu.memory_space<vmem>>) semaphore(%arg15 : memref<!tpu.dma_semaphore, #tpu.memory_space<semaphore_mem>>)
        } else {
        }
        %dma_wait3A = arith.constant 0 : i32
        %dma_wait3A_112 = arith.constant 0 : i32
        %dma_wait3A_113 = tpu.memref_slice %arg7[%dma_wait3A, %dma_wait3A_112] : memref<2x80xi32, #tpu.memory_space<vmem>> -> memref<1x80xi32, #tpu.memory_space<vmem>>
        %dma_wait3A_114 = tpu.memref_squeeze %dma_wait3A_113 : memref<1x80xi32, #tpu.memory_space<vmem>> -> memref<80xi32, #tpu.memory_space<vmem>>
        %dma_wait3A_115 = arith.constant 0 : i32
        %dma_wait3A_116 = arith.constant 0 : i32
        %dma_wait3A_117 = tpu.memref_slice %arg2[%dma_wait3A_115, %dma_wait3A_116] : memref<10000x144xf32, #tpu.memory_space<hbm>> -> memref<10000x144xf32, #tpu.memory_space<hbm>>
        tpu.wait_indirect_dma semaphore(%arg16 : memref<!tpu.dma_semaphore, #tpu.memory_space<semaphore_mem>>) src(%dma_wait3A_117 : memref<10000x144xf32, #tpu.memory_space<hbm>>) dst(%arg11 : memref<80x144xf32, #tpu.memory_space<vmem>>)
        %dma_wait3A_118 = arith.constant 1 : i32
        %dma_wait3A_119 = arith.constant 0 : i32
        %dma_wait3A_120 = tpu.memref_slice %arg7[%dma_wait3A_118, %dma_wait3A_119] : memref<2x80xi32, #tpu.memory_space<vmem>> -> memref<1x80xi32, #tpu.memory_space<vmem>>
        %dma_wait3A_121 = tpu.memref_squeeze %dma_wait3A_120 : memref<1x80xi32, #tpu.memory_space<vmem>> -> memref<80xi32, #tpu.memory_space<vmem>>
        %dma_wait3A_122 = arith.constant 0 : i32
        %dma_wait3A_123 = arith.constant 0 : i32
        %dma_wait3A_124 = tpu.memref_slice %arg3[%dma_wait3A_122, %dma_wait3A_123] : memref<10000x128xbf16, #tpu.memory_space<hbm>> -> memref<10000x128xbf16, #tpu.memory_space<hbm>>
        tpu.wait_indirect_dma semaphore(%arg16 : memref<!tpu.dma_semaphore, #tpu.memory_space<semaphore_mem>>) src(%dma_wait3A_124 : memref<10000x128xbf16, #tpu.memory_space<hbm>>) dst(%arg13 : memref<80x128xbf16, #tpu.memory_space<vmem>>)
        %add3A_125 = arith.constant 2 : i32
        %add3A_126 = arith.addi %add3A_71, %add3A_125 : i32
        %lt3A_127 = arith.constant 125 : i32
        %lt3A_128 = arith.cmpi slt, %add3A_126, %lt3A_127 : i32
        %convert_element_type3A_129 = arith.extui %lt3A_128 : i1 to i32
        %cond3A_130 = arith.constant 0 : i32
        %cond3A_131 = arith.cmpi ne, %convert_element_type3A_129, %cond3A_130 : i32
        scf.if %cond3A_131 {
          %add3A_148 = arith.constant 2 : i32
          %add3A_149 = arith.addi %add3A_71, %add3A_148 : i32
          %dma_start3A_150 = arith.constant 0 : i32
          %dma_start3A_151 = arith.constant 0 : i32
          %dma_start3A_152 = tpu.memref_slice %arg4[%add3A, %add3A_149, %dma_start3A_150, %dma_start3A_151] : memref<32x125x2x80xi32, #tpu.memory_space<hbm>> -> memref<1x1x2x80xi32, #tpu.memory_space<hbm>>
          %dma_start3A_153 = tpu.memref_squeeze %dma_start3A_152 : memref<1x1x2x80xi32, #tpu.memory_space<hbm>> -> memref<2x80xi32, #tpu.memory_space<hbm>>
          %dma_start3A_154 = arith.constant 0 : i32
          %dma_start3A_155 = arith.constant 0 : i32
          %dma_start3A_156 = tpu.memref_slice %arg4[%add3A, %add3A_149, %dma_start3A_154, %dma_start3A_155] : memref<32x125x2x80xi32, #tpu.memory_space<hbm>> -> memref<1x1x2x80xi32, #tpu.memory_space<hbm>>
          %dma_start3A_157 = tpu.memref_squeeze %dma_start3A_156 : memref<1x1x2x80xi32, #tpu.memory_space<hbm>> -> memref<2x80xi32, #tpu.memory_space<hbm>>
          tpu.enqueue_dma source(%dma_start3A_157 : memref<2x80xi32, #tpu.memory_space<hbm>>) target(%arg7 : memref<2x80xi32, #tpu.memory_space<vmem>>) target_semaphore(%arg18 : memref<!tpu.dma_semaphore, #tpu.memory_space<semaphore_mem>>)
        } else {
        }
        %parallel_loop3A = arith.constant 0 : i32
        %parallel_loop3A_132 = arith.constant 80 : i32
        %parallel_loop3A_133 = arith.constant 1 : i32
        scf.for %parallel_loop3A_148 = %parallel_loop3A to %parallel_loop3A_132 step %parallel_loop3A_133  : i32 {
          %parallel_loop3A_149 = arith.index_cast %parallel_loop3A_148 : i32 to index
          %parallel_loop3A_150 = arith.constant 0 : index
          %parallel_loop3A_151 = tpu.vector_load %arg11[%parallel_loop3A_149, %parallel_loop3A_150] {strides = array<i32>} : memref<80x144xf32, #tpu.memory_space<vmem>>, vector<16xf32>,
          %parallel_loop3A_152 = arith.index_cast %parallel_loop3A_148 : i32 to index
          %parallel_loop3A_153 = arith.constant 16 : index
          %parallel_loop3A_154 = tpu.vector_load %arg11[%parallel_loop3A_152, %parallel_loop3A_153] {strides = array<i32>} : memref<80x144xf32, #tpu.memory_space<vmem>>, vector<16xf32>,
          %parallel_loop3A_155 = arith.index_cast %parallel_loop3A_148 : i32 to index
          %parallel_loop3A_156 = arith.constant 32 : index
          %parallel_loop3A_157 = tpu.vector_load %arg11[%parallel_loop3A_155, %parallel_loop3A_156] {strides = array<i32>} : memref<80x144xf32, #tpu.memory_space<vmem>>, vector<16xf32>,
          %parallel_loop3A_158 = arith.index_cast %parallel_loop3A_148 : i32 to index
          %parallel_loop3A_159 = arith.constant 48 : index
          %parallel_loop3A_160 = tpu.vector_load %arg11[%parallel_loop3A_158, %parallel_loop3A_159] {strides = array<i32>} : memref<80x144xf32, #tpu.memory_space<vmem>>, vector<16xf32>,
          %parallel_loop3A_161 = arith.index_cast %parallel_loop3A_148 : i32 to index
          %parallel_loop3A_162 = arith.constant 64 : index
          %parallel_loop3A_163 = tpu.vector_load %arg11[%parallel_loop3A_161, %parallel_loop3A_162] {strides = array<i32>} : memref<80x144xf32, #tpu.memory_space<vmem>>, vector<16xf32>,
          %parallel_loop3A_164 = arith.index_cast %parallel_loop3A_148 : i32 to index
          %parallel_loop3A_165 = arith.constant 80 : index
          %parallel_loop3A_166 = tpu.vector_load %arg11[%parallel_loop3A_164, %parallel_loop3A_165] {strides = array<i32>} : memref<80x144xf32, #tpu.memory_space<vmem>>, vector<16xf32>,
          %parallel_loop3A_167 = arith.index_cast %parallel_loop3A_148 : i32 to index
          %parallel_loop3A_168 = arith.constant 96 : index
          %parallel_loop3A_169 = tpu.vector_load %arg11[%parallel_loop3A_167, %parallel_loop3A_168] {strides = array<i32>} : memref<80x144xf32, #tpu.memory_space<vmem>>, vector<16xf32>,
          %parallel_loop3A_170 = arith.index_cast %parallel_loop3A_148 : i32 to index
          %parallel_loop3A_171 = arith.constant 112 : index
          %parallel_loop3A_172 = tpu.vector_load %arg11[%parallel_loop3A_170, %parallel_loop3A_171] {strides = array<i32>} : memref<80x144xf32, #tpu.memory_space<vmem>>, vector<16xf32>,
          %parallel_loop3A_173 = arith.index_cast %parallel_loop3A_148 : i32 to index
          %parallel_loop3A_174 = arith.constant 128 : index
          %parallel_loop3A_175 = tpu.vector_load %arg11[%parallel_loop3A_173, %parallel_loop3A_174] {strides = array<i32>} : memref<80x144xf32, #tpu.memory_space<vmem>>, vector<16xf32>,
          %parallel_loop3A_176 = arith.index_cast %parallel_loop3A_148 : i32 to index
          %parallel_loop3A_177 = arith.constant 0 : index
          %parallel_loop3A_178 = tpu.vector_load %arg13[%parallel_loop3A_176, %parallel_loop3A_177] {strides = array<i32>} : memref<80x128xbf16, #tpu.memory_space<vmem>>, vector<32xbf16>,
          %parallel_loop3A_179 = tpu.unpack_subelements %parallel_loop3A_178, 0 {pack_format = #tpu.pack_format<interleaved>} : vector<32xbf16> -> vector<16xf32>
          %parallel_loop3A_180 = tpu.unpack_subelements %parallel_loop3A_178, 1 {pack_format = #tpu.pack_format<interleaved>} : vector<32xbf16> -> vector<16xf32>
          %parallel_loop3A_181 = arith.mulf %parallel_loop3A_151, %parallel_loop3A_179 : vector<16xf32>
          %parallel_loop3A_182 = arith.mulf %parallel_loop3A_154, %parallel_loop3A_180 : vector<16xf32>
          %parallel_loop3A_183 = arith.index_cast %parallel_loop3A_148 : i32 to index
          %parallel_loop3A_184 = arith.constant 32 : index
          %parallel_loop3A_185 = tpu.vector_load %arg13[%parallel_loop3A_183, %parallel_loop3A_184] {strides = array<i32>} : memref<80x128xbf16, #tpu.memory_space<vmem>>, vector<32xbf16>,
          %parallel_loop3A_186 = tpu.unpack_subelements %parallel_loop3A_185, 0 {pack_format = #tpu.pack_format<interleaved>} : vector<32xbf16> -> vector<16xf32>
          %parallel_loop3A_187 = tpu.unpack_subelements %parallel_loop3A_185, 1 {pack_format = #tpu.pack_format<interleaved>} : vector<32xbf16> -> vector<16xf32>
          %parallel_loop3A_188 = arith.mulf %parallel_loop3A_157, %parallel_loop3A_186 : vector<16xf32>
          %parallel_loop3A_189 = arith.mulf %parallel_loop3A_160, %parallel_loop3A_187 : vector<16xf32>
          %parallel_loop3A_190 = arith.index_cast %parallel_loop3A_148 : i32 to index
          %parallel_loop3A_191 = arith.constant 64 : index
          %parallel_loop3A_192 = tpu.vector_load %arg13[%parallel_loop3A_190, %parallel_loop3A_191] {strides = array<i32>} : memref<80x128xbf16, #tpu.memory_space<vmem>>, vector<32xbf16>,
          %parallel_loop3A_193 = tpu.unpack_subelements %parallel_loop3A_192, 0 {pack_format = #tpu.pack_format<interleaved>} : vector<32xbf16> -> vector<16xf32>
          %parallel_loop3A_194 = tpu.unpack_subelements %parallel_loop3A_192, 1 {pack_format = #tpu.pack_format<interleaved>} : vector<32xbf16> -> vector<16xf32>
          %parallel_loop3A_195 = arith.mulf %parallel_loop3A_163, %parallel_loop3A_193 : vector<16xf32>
          %parallel_loop3A_196 = arith.mulf %parallel_loop3A_166, %parallel_loop3A_194 : vector<16xf32>
          %parallel_loop3A_197 = arith.index_cast %parallel_loop3A_148 : i32 to index
          %parallel_loop3A_198 = arith.constant 96 : index
          %parallel_loop3A_199 = tpu.vector_load %arg13[%parallel_loop3A_197, %parallel_loop3A_198] {strides = array<i32>} : memref<80x128xbf16, #tpu.memory_space<vmem>>, vector<32xbf16>,
          %parallel_loop3A_200 = tpu.unpack_subelements %parallel_loop3A_199, 0 {pack_format = #tpu.pack_format<interleaved>} : vector<32xbf16> -> vector<16xf32>
          %parallel_loop3A_201 = tpu.unpack_subelements %parallel_loop3A_199, 1 {pack_format = #tpu.pack_format<interleaved>} : vector<32xbf16> -> vector<16xf32>
          %parallel_loop3A_202 = arith.mulf %parallel_loop3A_169, %parallel_loop3A_200 : vector<16xf32>
          %parallel_loop3A_203 = arith.mulf %parallel_loop3A_172, %parallel_loop3A_201 : vector<16xf32>
          %parallel_loop3A_204 = arith.addf %parallel_loop3A_181, %parallel_loop3A_182 : vector<16xf32>
          %parallel_loop3A_205 = arith.addf %parallel_loop3A_188, %parallel_loop3A_189 : vector<16xf32>
          %parallel_loop3A_206 = arith.addf %parallel_loop3A_195, %parallel_loop3A_196 : vector<16xf32>
          %parallel_loop3A_207 = arith.addf %parallel_loop3A_202, %parallel_loop3A_203 : vector<16xf32>
          %parallel_loop3A_208 = arith.addf %parallel_loop3A_204, %parallel_loop3A_205 : vector<16xf32>
          %parallel_loop3A_209 = arith.addf %parallel_loop3A_206, %parallel_loop3A_207 : vector<16xf32>
          %parallel_loop3A_210 = arith.addf %parallel_loop3A_208, %parallel_loop3A_209 : vector<16xf32>
          %parallel_loop3A_211 = vector.extract_strided_slice %parallel_loop3A_175 {offsets = [1], sizes = [1], strides = [1]} : vector<16xf32> to vector<1xf32>
          %parallel_loop3A_212 = vector.extract %parallel_loop3A_211[0] : f32 from vector<1xf32>
          %parallel_loop3A_213 = arith.constant true
          %parallel_loop3A_214 = vector.broadcast %parallel_loop3A_213 : i1 to vector<16xi1>
          %parallel_loop3A_215 = tpu.scan <sum>, %parallel_loop3A_210 masked %parallel_loop3A_214 : vector<16xf32>, vector<16xi1> -> vector<16xf32>
          %parallel_loop3A_216 = vector.extract %parallel_loop3A_215[15] : f32 from vector<16xf32>
          %parallel_loop3A_217 = arith.mulf %parallel_loop3A_216, %parallel_loop3A_212 : f32
          %parallel_loop3A_218 = vector.broadcast %parallel_loop3A_217 : f32 to vector<16xf32>
          %parallel_loop3A_219 = arith.constant -2.000000e+00 : f32
          %parallel_loop3A_220 = arith.constant 2.000000e+00 : f32
          %parallel_loop3A_221 = vector.broadcast %parallel_loop3A_219 : f32 to vector<16xf32>
          %parallel_loop3A_222 = arith.maximumf %parallel_loop3A_221, %parallel_loop3A_218 : vector<16xf32>
          %parallel_loop3A_223 = vector.broadcast %parallel_loop3A_220 : f32 to vector<16xf32>
          %parallel_loop3A_224 = arith.minimumf %parallel_loop3A_223, %parallel_loop3A_222 : vector<16xf32>
          %parallel_loop3A_225 = math.exp %parallel_loop3A_224 : vector<16xf32>
          %parallel_loop3A_226 = arith.mulf %parallel_loop3A_151, %parallel_loop3A_225 : vector<16xf32>
          %parallel_loop3A_227 = arith.index_cast %parallel_loop3A_148 : i32 to index
          %parallel_loop3A_228 = arith.constant 0 : index
          %parallel_loop3A_229 = tpu.vector_load %arg11[%parallel_loop3A_227, %parallel_loop3A_228] {strides = array<i32>} : memref<80x144xf32, #tpu.memory_space<vmem>>, vector<16xf32>,
          tpu.vector_store %arg11[%parallel_loop3A_227, %parallel_loop3A_228], %parallel_loop3A_226 {strides = array<i32>} : memref<80x144xf32, #tpu.memory_space<vmem>>, vector<16xf32>,
          %parallel_loop3A_230 = arith.mulf %parallel_loop3A_154, %parallel_loop3A_225 : vector<16xf32>
          %parallel_loop3A_231 = arith.index_cast %parallel_loop3A_148 : i32 to index
          %parallel_loop3A_232 = arith.constant 16 : index
          %parallel_loop3A_233 = tpu.vector_load %arg11[%parallel_loop3A_231, %parallel_loop3A_232] {strides = array<i32>} : memref<80x144xf32, #tpu.memory_space<vmem>>, vector<16xf32>,
          tpu.vector_store %arg11[%parallel_loop3A_231, %parallel_loop3A_232], %parallel_loop3A_230 {strides = array<i32>} : memref<80x144xf32, #tpu.memory_space<vmem>>, vector<16xf32>,
          %parallel_loop3A_234 = arith.mulf %parallel_loop3A_157, %parallel_loop3A_225 : vector<16xf32>
          %parallel_loop3A_235 = arith.index_cast %parallel_loop3A_148 : i32 to index
          %parallel_loop3A_236 = arith.constant 32 : index
          %parallel_loop3A_237 = tpu.vector_load %arg11[%parallel_loop3A_235, %parallel_loop3A_236] {strides = array<i32>} : memref<80x144xf32, #tpu.memory_space<vmem>>, vector<16xf32>,
          tpu.vector_store %arg11[%parallel_loop3A_235, %parallel_loop3A_236], %parallel_loop3A_234 {strides = array<i32>} : memref<80x144xf32, #tpu.memory_space<vmem>>, vector<16xf32>,
          %parallel_loop3A_238 = arith.mulf %parallel_loop3A_160, %parallel_loop3A_225 : vector<16xf32>
          %parallel_loop3A_239 = arith.index_cast %parallel_loop3A_148 : i32 to index
          %parallel_loop3A_240 = arith.constant 48 : index
          %parallel_loop3A_241 = tpu.vector_load %arg11[%parallel_loop3A_239, %parallel_loop3A_240] {strides = array<i32>} : memref<80x144xf32, #tpu.memory_space<vmem>>, vector<16xf32>,
          tpu.vector_store %arg11[%parallel_loop3A_239, %parallel_loop3A_240], %parallel_loop3A_238 {strides = array<i32>} : memref<80x144xf32, #tpu.memory_space<vmem>>, vector<16xf32>,
          %parallel_loop3A_242 = arith.mulf %parallel_loop3A_163, %parallel_loop3A_225 : vector<16xf32>
          %parallel_loop3A_243 = arith.index_cast %parallel_loop3A_148 : i32 to index
          %parallel_loop3A_244 = arith.constant 64 : index
          %parallel_loop3A_245 = tpu.vector_load %arg11[%parallel_loop3A_243, %parallel_loop3A_244] {strides = array<i32>} : memref<80x144xf32, #tpu.memory_space<vmem>>, vector<16xf32>,
          tpu.vector_store %arg11[%parallel_loop3A_243, %parallel_loop3A_244], %parallel_loop3A_242 {strides = array<i32>} : memref<80x144xf32, #tpu.memory_space<vmem>>, vector<16xf32>,
          %parallel_loop3A_246 = arith.mulf %parallel_loop3A_166, %parallel_loop3A_225 : vector<16xf32>
          %parallel_loop3A_247 = arith.index_cast %parallel_loop3A_148 : i32 to index
          %parallel_loop3A_248 = arith.constant 80 : index
          %parallel_loop3A_249 = tpu.vector_load %arg11[%parallel_loop3A_247, %parallel_loop3A_248] {strides = array<i32>} : memref<80x144xf32, #tpu.memory_space<vmem>>, vector<16xf32>,
          tpu.vector_store %arg11[%parallel_loop3A_247, %parallel_loop3A_248], %parallel_loop3A_246 {strides = array<i32>} : memref<80x144xf32, #tpu.memory_space<vmem>>, vector<16xf32>,
          %parallel_loop3A_250 = arith.mulf %parallel_loop3A_169, %parallel_loop3A_225 : vector<16xf32>
          %parallel_loop3A_251 = arith.index_cast %parallel_loop3A_148 : i32 to index
          %parallel_loop3A_252 = arith.constant 96 : index
          %parallel_loop3A_253 = tpu.vector_load %arg11[%parallel_loop3A_251, %parallel_loop3A_252] {strides = array<i32>} : memref<80x144xf32, #tpu.memory_space<vmem>>, vector<16xf32>,
          tpu.vector_store %arg11[%parallel_loop3A_251, %parallel_loop3A_252], %parallel_loop3A_250 {strides = array<i32>} : memref<80x144xf32, #tpu.memory_space<vmem>>, vector<16xf32>,
          %parallel_loop3A_254 = arith.mulf %parallel_loop3A_172, %parallel_loop3A_225 : vector<16xf32>
          %parallel_loop3A_255 = arith.index_cast %parallel_loop3A_148 : i32 to index
          %parallel_loop3A_256 = arith.constant 112 : index
          %parallel_loop3A_257 = tpu.vector_load %arg11[%parallel_loop3A_255, %parallel_loop3A_256] {strides = array<i32>} : memref<80x144xf32, #tpu.memory_space<vmem>>, vector<16xf32>,
          tpu.vector_store %arg11[%parallel_loop3A_255, %parallel_loop3A_256], %parallel_loop3A_254 {strides = array<i32>} : memref<80x144xf32, #tpu.memory_space<vmem>>, vector<16xf32>,
          %parallel_loop3A_258 = arith.mulf %parallel_loop3A_175, %parallel_loop3A_225 : vector<16xf32>
          %parallel_loop3A_259 = arith.index_cast %parallel_loop3A_148 : i32 to index
          %parallel_loop3A_260 = arith.constant 128 : index
          %parallel_loop3A_261 = tpu.vector_load %arg11[%parallel_loop3A_259, %parallel_loop3A_260] {strides = array<i32>} : memref<80x144xf32, #tpu.memory_space<vmem>>, vector<16xf32>,
          tpu.vector_store %arg11[%parallel_loop3A_259, %parallel_loop3A_260], %parallel_loop3A_258 {strides = array<i32>} : memref<80x144xf32, #tpu.memory_space<vmem>>, vector<16xf32>,
        } {sc.loop_unroll_factor = 2 : i64, sc.parallel_access}
        %dma_wait3A_134 = arith.constant 1 : i32
        %dma_wait3A_135 = arith.constant 0 : i32
        %dma_wait3A_136 = tpu.memref_slice %arg4[%add3A, %add3A_71, %dma_wait3A_134, %dma_wait3A_135] : memref<32x125x2x80xi32, #tpu.memory_space<hbm>> -> memref<1x1x1x80xi32, #tpu.memory_space<hbm>>
        %dma_wait3A_137 = tpu.memref_squeeze %dma_wait3A_136 : memref<1x1x1x80xi32, #tpu.memory_space<hbm>> -> memref<80xi32, #tpu.memory_space<hbm>>
        %dma_wait3A_138 = arith.constant 0 : i32
        %dma_wait3A_139 = tpu.memref_slice %arg4[%add3A, %add3A_71, %dma_wait3A_134, %dma_wait3A_138] : memref<32x125x2x80xi32, #tpu.memory_space<hbm>> -> memref<1x1x1x80xi32, #tpu.memory_space<hbm>>
        %dma_wait3A_140 = tpu.memref_squeeze %dma_wait3A_139 : memref<1x1x1x80xi32, #tpu.memory_space<hbm>> -> memref<80xi32, #tpu.memory_space<hbm>>
        tpu.wait_dma2 semaphore(%arg20 : memref<!tpu.dma_semaphore, #tpu.memory_space<semaphore_mem>>) src(%dma_wait3A_140 : memref<80xi32, #tpu.memory_space<hbm>>) dst(%arg9 : memref<80xi32, #tpu.memory_space<vmem>>)
        "tpu.region"() ({
          %run_scoped3A_148 = tpu.sem_alloc : memref<!tpu.dma_semaphore, #tpu.memory_space<semaphore_mem>>
          %dma_start3A_149 = arith.constant 0 : i32
          %dma_start3A_150 = arith.constant 0 : i32
          %dma_start3A_151 = tpu.memref_slice %arg14[%dma_start3A_149, %dma_start3A_150] : memref<10000x144xf32, #tpu.memory_space<vmem_shared>> -> memref<10000x144xf32, #tpu.memory_space<vmem_shared>>
          tpu.enqueue_indirect_dma source(%arg11 : memref<80x144xf32, #tpu.memory_space<vmem>>) target(%dma_start3A_151 : memref<10000x144xf32, #tpu.memory_space<vmem_shared>>) offsets(%arg9 : memref<80xi32, #tpu.memory_space<vmem>>) semaphore(%run_scoped3A_148 : memref<!tpu.dma_semaphore, #tpu.memory_space<semaphore_mem>>) {add = true}
          %dma_wait3A_152 = arith.constant 0 : i32
          %dma_wait3A_153 = arith.constant 0 : i32
          %dma_wait3A_154 = tpu.memref_slice %arg14[%dma_wait3A_152, %dma_wait3A_153] : memref<10000x144xf32, #tpu.memory_space<vmem_shared>> -> memref<10000x144xf32, #tpu.memory_space<vmem_shared>>
          tpu.wait_indirect_dma semaphore(%run_scoped3A_148 : memref<!tpu.dma_semaphore, #tpu.memory_space<semaphore_mem>>) src(%arg11 : memref<80x144xf32, #tpu.memory_space<vmem>>) dst(%dma_wait3A_154 : memref<10000x144xf32, #tpu.memory_space<vmem_shared>>)
          tpu.yield
        }) : () -> ()
        %add3A_141 = arith.constant 2 : i32
        %add3A_142 = arith.addi %add3A_71, %add3A_141 : i32
        %lt3A_143 = arith.constant 125 : i32
        %lt3A_144 = arith.cmpi slt, %add3A_142, %lt3A_143 : i32
        %convert_element_type3A_145 = arith.extui %lt3A_144 : i1 to i32
        %cond3A_146 = arith.constant 0 : i32
        %cond3A_147 = arith.cmpi ne, %convert_element_type3A_145, %cond3A_146 : i32
        scf.if %cond3A_147 {
          %add3A_148 = arith.constant 2 : i32
          %add3A_149 = arith.addi %add3A_71, %add3A_148 : i32
          %dma_start3A_150 = arith.constant 1 : i32
          %dma_start3A_151 = arith.constant 0 : i32
          %dma_start3A_152 = tpu.memref_slice %arg4[%add3A, %add3A_149, %dma_start3A_150, %dma_start3A_151] : memref<32x125x2x80xi32, #tpu.memory_space<hbm>> -> memref<1x1x1x80xi32, #tpu.memory_space<hbm>>
          %dma_start3A_153 = tpu.memref_squeeze %dma_start3A_152 : memref<1x1x1x80xi32, #tpu.memory_space<hbm>> -> memref<80xi32, #tpu.memory_space<hbm>>
          %dma_start3A_154 = arith.constant 0 : i32
          %dma_start3A_155 = tpu.memref_slice %arg4[%add3A, %add3A_149, %dma_start3A_150, %dma_start3A_154] : memref<32x125x2x80xi32, #tpu.memory_space<hbm>> -> memref<1x1x1x80xi32, #tpu.memory_space<hbm>>
          %dma_start3A_156 = tpu.memref_squeeze %dma_start3A_155 : memref<1x1x1x80xi32, #tpu.memory_space<hbm>> -> memref<80xi32, #tpu.memory_space<hbm>>
          tpu.enqueue_dma source(%dma_start3A_156 : memref<80xi32, #tpu.memory_space<hbm>>) target(%arg9 : memref<80xi32, #tpu.memory_space<vmem>>) target_semaphore(%arg20 : memref<!tpu.dma_semaphore, #tpu.memory_space<semaphore_mem>>)
        } else {
        }
      } else {
      }
    }
    %scan3A_65 = arith.constant 125 : i32
    %barrier3A_66 = arith.constant 0 : index
    tpu.barrier barrier_id(%barrier3A_66)
    "tpu.region"() ({
      %run_scoped3A_67 = tpu.sem_alloc : memref<!tpu.dma_semaphore, #tpu.memory_space<semaphore_mem>>
      %dma_start3A_68 = arith.constant 0 : i32
      %dma_start3A_69 = tpu.memref_slice %arg5[%arg0, %mul3A_6, %dma_start3A_68] : memref<2x10000x144xf32, #tpu.memory_space<hbm>> -> memref<1x625x144xf32, #tpu.memory_space<hbm>>
      %dma_start3A_70 = tpu.memref_squeeze %dma_start3A_69 : memref<1x625x144xf32, #tpu.memory_space<hbm>> -> memref<625x144xf32, #tpu.memory_space<hbm>>
      %dma_start3A_71 = arith.constant 0 : i32
      %dma_start3A_72 = tpu.memref_slice %arg14[%mul3A_6, %dma_start3A_71] : memref<10000x144xf32, #tpu.memory_space<vmem_shared>> -> memref<625x144xf32, #tpu.memory_space<vmem_shared>>
      tpu.enqueue_dma source(%dma_start3A_72 : memref<625x144xf32, #tpu.memory_space<vmem_shared>>) target(%dma_start3A_70 : memref<625x144xf32, #tpu.memory_space<hbm>>) target_semaphore(%run_scoped3A_67 : memref<!tpu.dma_semaphore, #tpu.memory_space<semaphore_mem>>)
      %dma_wait3A = arith.constant 0 : i32
      %dma_wait3A_73 = tpu.memref_slice %arg5[%arg0, %mul3A_6, %dma_wait3A] : memref<2x10000x144xf32, #tpu.memory_space<hbm>> -> memref<1x625x144xf32, #tpu.memory_space<hbm>>
      %dma_wait3A_74 = tpu.memref_squeeze %dma_wait3A_73 : memref<1x625x144xf32, #tpu.memory_space<hbm>> -> memref<625x144xf32, #tpu.memory_space<hbm>>
      %dma_wait3A_75 = arith.constant 0 : i32
      %dma_wait3A_76 = tpu.memref_slice %arg14[%mul3A_6, %dma_wait3A_75] : memref<10000x144xf32, #tpu.memory_space<vmem_shared>> -> memref<625x144xf32, #tpu.memory_space<vmem_shared>>
      tpu.wait_dma2 semaphore(%run_scoped3A_67 : memref<!tpu.dma_semaphore, #tpu.memory_space<semaphore_mem>>) src(%dma_wait3A_76 : memref<625x144xf32, #tpu.memory_space<vmem_shared>>) dst(%dma_wait3A_74 : memref<625x144xf32, #tpu.memory_space<hbm>>)
      tpu.yield
    }) : () -> ()
    return
  }
}

module attributes {stable_mosaic.version = 14 : i64} {
  func.func @_prep_body(%arg0: i32, %arg1: memref<1000x128xf32, #tpu.memory_space<vmem>>, %arg2: memref<128x128xf32, #tpu.memory_space<vmem>>, %arg3: memref<1000x144xf32, #tpu.memory_space<vmem>>, %arg4: memref<1000x128xf32, #tpu.memory_space<vmem>>) attributes {dimension_semantics = [#tpu.dimension_semantics<arbitrary>], iteration_bounds = array<i64: 10>, scalar_prefetch = 0 : i64, scratch_operands = 0 : i64, tpu.core_type = #tpu.core_type<tc>, window_params = [{transform_indices = @transform_0, window_bounds = array<i64: 1000, 128>}, {pipeline_mode = #tpu.pipeline_mode<synchronous>, transform_indices = @transform_1, window_bounds = array<i64: 128, 128>}, {transform_indices = @transform_2, window_bounds = array<i64: 1000, 144>}, {transform_indices = @transform_3, window_bounds = array<i64: 1000, 128>}]} {
    %get3A = arith.constant 0 : index
    %get3A_0 = arith.constant 0 : index
    %get3A_1 = vector.load %arg1[%get3A, %get3A_0] : memref<1000x128xf32, #tpu.memory_space<vmem>>, vector<1000x128xf32>
    %get3A_2 = arith.constant 0 : index
    %get3A_3 = arith.constant 0 : index
    %get3A_4 = vector.load %arg2[%get3A_2, %get3A_3] : memref<128x128xf32, #tpu.memory_space<vmem>>, vector<128x128xf32>
    %dot_general3A = arith.constant dense<0.000000e+00> : vector<1000x128xf32>
    %dot_general3A_5 = tpu.matmul %get3A_1, %get3A_4, %dot_general3A {dimension_numbers = #tpu.dot_dimension_numbers<[1], [0], [0], [1], [0, 0, 1, 1], [], []>, transpose_lhs_hint = false} : vector<1000x128xf32>, vector<128x128xf32>, vector<1000x128xf32> -> vector<1000x128xf32>
    %mul3A = arith.mulf %dot_general3A_5, %dot_general3A_5 : vector<1000x128xf32>
    %reduce_sum3A = arith.constant dense<0.000000e+00> : vector<1000xf32>
    %reduce_sum3A_6 = vector.multi_reduction <add>, %mul3A, %reduce_sum3A [1] : vector<1000x128xf32> to vector<1000xf32>
    %broadcast_in_dim3A = vector.shape_cast %reduce_sum3A_6 : vector<1000xf32> to vector<1000x1xf32>
    %max3A = arith.constant 9.99999996E-13 : f32
    %max3A_7 = vector.broadcast %max3A : f32 to vector<1000x1xf32>
    %max3A_8 = arith.maximumf %broadcast_in_dim3A, %max3A_7 : vector<1000x1xf32>
    %rsqrt3A = math.rsqrt %max3A_8 : vector<1000x1xf32>
    %mul3A_9 = vector.broadcast %rsqrt3A : vector<1000x1xf32> to vector<1000x128xf32>
    %mul3A_10 = arith.mulf %dot_general3A_5, %mul3A_9 : vector<1000x128xf32>
    %swap3A = arith.constant 0 : index
    %swap3A_11 = arith.constant 0 : index
    %swap3A_12 = vector.load %arg4[%swap3A, %swap3A_11] : memref<1000x128xf32, #tpu.memory_space<vmem>>, vector<1000x128xf32>
    tpu.vector_store %arg4[%swap3A, %swap3A_11], %mul3A_10 {strides = array<i32>} : memref<1000x128xf32, #tpu.memory_space<vmem>>, vector<1000x128xf32>,
    %broadcast_in_dim3A_13 = arith.constant 1.000000e+00 : f32
    %broadcast_in_dim3A_14 = vector.broadcast %broadcast_in_dim3A_13 : f32 to vector<1000x1xf32>
    %broadcast_in_dim3A_15 = arith.constant 0.000000e+00 : f32
    %broadcast_in_dim3A_16 = vector.broadcast %broadcast_in_dim3A_15 : f32 to vector<1000x14xf32>
    %concatenate3A = tpu.concatenate %dot_general3A_5, %broadcast_in_dim3A_14, %rsqrt3A, %broadcast_in_dim3A_16 in 1 : vector<1000x128xf32>, vector<1000x1xf32>, vector<1000x1xf32>, vector<1000x14xf32> -> vector<1000x144xf32>
    %swap3A_17 = arith.constant 0 : index
    %swap3A_18 = arith.constant 0 : index
    %swap3A_19 = vector.load %arg3[%swap3A_17, %swap3A_18] : memref<1000x144xf32, #tpu.memory_space<vmem>>, vector<1000x144xf32>
    tpu.vector_store %arg3[%swap3A_17, %swap3A_18], %concatenate3A {strides = array<i32>} : memref<1000x144xf32, #tpu.memory_space<vmem>>, vector<1000x144xf32>,
    return
  }
  func.func @transform_0(%arg0: i32) -> (i32, i32) {
    %c0_i32 = arith.constant 0 : i32
    %c0_i32_0 = arith.constant 0 : i32
    return %arg0, %c0_i32 : i32, i32
  }
  func.func @transform_1(%arg0: i32) -> (i32, i32) {
    %c0_i32 = arith.constant 0 : i32
    %c0_i32_0 = arith.constant 0 : i32
    %c0_i32_1 = arith.constant 0 : i32
    return %c0_i32, %c0_i32_0 : i32, i32
  }
  func.func @transform_2(%arg0: i32) -> (i32, i32) {
    %c0_i32 = arith.constant 0 : i32
    %c0_i32_0 = arith.constant 0 : i32
    return %arg0, %c0_i32 : i32, i32
  }
  func.func @transform_3(%arg0: i32) -> (i32, i32) {
    %c0_i32 = arith.constant 0 : i32
    %c0_i32_0 = arith.constant 0 : i32
    return %arg0, %c0_i32 : i32, i32
  }
}

module attributes {stable_mosaic.version = 14 : i64} {
  func.func @_final_body(%arg0: i32, %arg1: memref<2x1000x144xf32, #tpu.memory_space<vmem>>, %arg2: memref<1000x128xf32, #tpu.memory_space<vmem>>) attributes {dimension_semantics = [#tpu.dimension_semantics<arbitrary>], iteration_bounds = array<i64: 10>, scalar_prefetch = 0 : i64, scratch_operands = 0 : i64, tpu.core_type = #tpu.core_type<tc>, window_params = [{transform_indices = @transform_0, window_bounds = array<i64: 2, 1000, 144>}, {transform_indices = @transform_1, window_bounds = array<i64: 1000, 128>}]} {
    %get3A = arith.constant 0 : index
    %get3A_0 = arith.constant 0 : index
    %get3A_1 = arith.constant 0 : index
    %get3A_2 = vector.load %arg1[%get3A, %get3A_0, %get3A_1] : memref<2x1000x144xf32, #tpu.memory_space<vmem>>, vector<1x1000x144xf32>
    %get3A_3 = vector.shape_cast %get3A_2 : vector<1x1000x144xf32> to vector<1000x144xf32>
    %get3A_4 = arith.constant 1 : index
    %get3A_5 = arith.constant 0 : index
    %get3A_6 = arith.constant 0 : index
    %get3A_7 = vector.load %arg1[%get3A_4, %get3A_5, %get3A_6] : memref<2x1000x144xf32, #tpu.memory_space<vmem>>, vector<1x1000x144xf32>
    %get3A_8 = vector.shape_cast %get3A_7 : vector<1x1000x144xf32> to vector<1000x144xf32>
    %add3A = arith.addf %get3A_3, %get3A_8 : vector<1000x144xf32>
    %slice3A = vector.extract_strided_slice %add3A {offsets = [0, 128], sizes = [1000, 1], strides = [1, 1]} : vector<1000x144xf32> to vector<1000x1xf32>
    %gt3A = arith.constant 0.000000e+00 : f32
    %gt3A_9 = vector.broadcast %gt3A : f32 to vector<1000x1xf32>
    %gt3A_10 = arith.cmpf ogt, %slice3A, %gt3A_9 : vector<1000x1xf32>
    %slice3A_11 = vector.extract_strided_slice %add3A {offsets = [0, 0], sizes = [1000, 128], strides = [1, 1]} : vector<1000x144xf32> to vector<1000x128xf32>
    %div3A = vector.broadcast %slice3A : vector<1000x1xf32> to vector<1000x128xf32>
    %div3A_12 = arith.divf %slice3A_11, %div3A : vector<1000x128xf32>
    %jit3A = arith.constant 0.000000e+00 : f32
    %broadcast_in_dim3A = vector.shape_cast %gt3A_10 : vector<1000x1xi1> to vector<1000x1xi1>
    %broadcast_in_dim3A_13 = vector.broadcast %broadcast_in_dim3A : vector<1000x1xi1> to vector<1000x128xi1>
    %broadcast_in_dim3A_14 = vector.broadcast %jit3A : f32 to vector<1000x128xf32>
    %select_n3A = arith.select %broadcast_in_dim3A_13, %div3A_12, %broadcast_in_dim3A_14 : vector<1000x128xi1>, vector<1000x128xf32>
    %swap3A = arith.constant 0 : index
    %swap3A_15 = arith.constant 0 : index
    %swap3A_16 = vector.load %arg2[%swap3A, %swap3A_15] : memref<1000x128xf32, #tpu.memory_space<vmem>>, vector<1000x128xf32>
    tpu.vector_store %arg2[%swap3A, %swap3A_15], %select_n3A {strides = array<i32>} : memref<1000x128xf32, #tpu.memory_space<vmem>>, vector<1000x128xf32>,
    return
  }
  func.func @transform_0(%arg0: i32) -> (i32, i32, i32) {
    %c0_i32 = arith.constant 0 : i32
    %c0_i32_0 = arith.constant 0 : i32
    %c0_i32_1 = arith.constant 0 : i32
    return %c0_i32, %arg0, %c0_i32_0 : i32, i32, i32
  }
  func.func @transform_1(%arg0: i32) -> (i32, i32) {
    %c0_i32 = arith.constant 0 : i32
    %c0_i32_0 = arith.constant 0 : i32
    return %arg0, %c0_i32 : i32, i32
  }
}

</mosaic_0001>

<sc_bundles>
// kernel: kernel.6.cloned.1.call-start
scs
__scs_entry_jumppad:
0x0: {  	(pc) =	sbr.rel $0x88, $3  }
0x1: {  	(tag) =	ssettag $0x0;
	lr =	simm.s32 $0x1  }
0x2: {  	[smem:$0x3F9E] =	sst lr;
	_ =	strace $0xD0000000  }
0x3: {  	_ = 	snop  }
0x4: {  	_ = 	snop  }
0x5: {  	_ = 	snop  }
0x6: {  	_ = 	snop  }
0x7: {  	_ = 	snop  }
__scs_overlays_trampoline_lowered:
0x8: {  	[smem:$0x3FAD] =	sst s0  }
0x9: {  	[smem:$0x3FAE] =	sst s1  }
0xa: {  	[smem:$0x3FAF] =	sst s2  }
0xb: {  	[smem:$0x3FB0] =	sst s3  }
0xc: {  	[smem:$0x3FB1] =	sst s4  }
0xd: {  	[smem:$0x3FB2] =	sst s5  }
0xe: {  	[smem:$0x3FB3] =	sst s6  }
0xf: {  	[smem:$0x3FB4] =	sst s7  }
0x10: {  	[smem:$0x3FB5] =	sst s8  }
0x11: {  	[smem:$0x3FB6] =	sst s9;
	s0 =	simm.s32 @!p0 $0x0  }
0x12: {  	s1 =	sld [smem:$0x3F9C];
	s0 =	simm.s32 @p0 $0x1  }
0x13: {  	[smem:$0x3FB7] =	sst s0;
	s0 =	simm.s32 @!p1 $0x0  }
0x14: {  	s2 =	sld [smem:$0x3F9B];
	s0 =	simm.s32 @p1 $0x1  }
0x15: {  	[smem:$0x3FB8] =	sst s0;
	s0 =	simm.s32 @!p2 $0x0  }
0x16: {  	s3 =	sld [smem:$0x3FDB];
	s0 =	simm.s32 @p2 $0x1  }
0x17: {  	s4 =	simm.s32 $0x1BF5;
	[smem:$0x3FBA] =	sst s0  }
0x18: {  	s0 =	sld [smem:$0x3F9D];
	_ =	swait.ge [sflag:s4], $0x0  }
0x19: {  	s7 =	sld [smem:$0x3F9E]  }
0x1a: {  	s8 =	sadd.s32 $0xFFFFE003, lr  }
0x1b: {  	s9 =	sadd.s32 $0xFFFFFEF7, lr;
	s5 =	simm.s32 $0xFFFFFFFF;
	p2 =	slt.u32 s8, $0xFFFFF086  }
0x1c: {  	p1 =	slt.u32 s9, $0xF7A;
	s5 =	simm.s32 @!p2 $0x0  }
0x1d: {  	s5 =	simm.s32 @p1 $0x1;
	p0 =	seq.s32 s7, s2  }
0x1e: {  	s7 =	smul.u32 @!p0 $0xF7A, s2;
	p2 =	seq.s32 @!p0 s5, $0x0  }
0x1f: {  	s9 =	smul.u32 $0xF7A, s1;
	s8 =	simm.s32 @!p0 $0x1BF5;
	p2 =	por !p2, p0  }
0x20: {  	[sflag:s8] =	ssyncset.s32 @!p0 $0xFFFFF086;
	s6 =	sadd.s32 @!p0 s3, s7;
	s7 =	simm.s32 @!p0 $0x108  }
0x21: {  	s3 =	sadd.s32 s3, s9;
	s6 =	sadd.s32 @!p0 $0x88, s6;
	s7 =	simm.s32 @p2 $0x1082  }
0x22: {  	[simem:s7], [sflag:s8] =	dma.local @!p0 [hbm:s6], $0xF7A  }
0x23: {  	s9 =	sor.u32 $0xD0000000, s2;
	s6 =	simm.s32 $0x108;
	_ =	swait.ge @!p0 [sflag:s8], $0x0  }
0x24: {  	s3 =	sadd.s32 $0x88, s3;
	s6 =	simm.s32 @!p1 $0x1082;
	[sflag:s4] =	ssyncset.s32 $0xFFFFF086  }
0x25: {  	[simem:s6], [sflag:s4] =	dma.local [hbm:s3], $0xF7A  }
0x26: {  	[smem:$0x3F9E] =	sst s1;
	(tag) =	ssettag s2;
	_ =	strace s9  }
0x27: {  	s1 =	sld [smem:$0x3FAE]  }
0x28: {  	s2 =	sld [smem:$0x3FAF]  }
0x29: {  	s4 =	sld [smem:$0x3FB1]  }
0x2a: {  	p0 =	seq.s32 s5, $0x0;
	s5 =	sld [smem:$0x3FB2]  }
0x2b: {  	s6 =	sld [smem:$0x3FB3]  }
0x2c: {  	s7 =	sld [smem:$0x3FB4]  }
0x2d: {  	s3 =	simm.s32 $0x108;
	s8 =	sld [smem:$0x3FB5]  }
0x2e: {  	s3 =	simm.s32 @!p0 $0x1082;
	s9 =	sld [smem:$0x3FB6]  }
0x2f: {  	lr =	sadd.s32 s0, s3;
	s0 =	sld [smem:$0x3FAD]  }
0x30: {  	s3 =	sld [smem:$0x3FB0]  }
0x31: {  	[smem:$0x3FB9] =	sst s10  }
0x32: {  	s10 =	sld [smem:$0x3FB7];
	_ =	sdelay $0x3  }
0x33: {  	p0 =	seq.s32 s10, $0x1;
	s10 =	sld [smem:$0x3FB9];
	_ =	sdelay $0x3  }
0x34: {  	[smem:$0x3FB9] =	sst s10  }
0x35: {  	s10 =	sld [smem:$0x3FB8];
	_ =	sdelay $0x3  }
0x36: {  	p1 =	seq.s32 s10, $0x1;
	s10 =	sld [smem:$0x3FB9];
	_ =	sdelay $0x3  }
0x37: {  	[smem:$0x3FB9] =	sst s10  }
0x38: {  	s10 =	sld [smem:$0x3FBA]  }
0x39: {  	_ = 	snop;
	(pc) =	sbr.ind lr, $3  }
0x3a: {  	_ = 	snop  }
0x3b: {  	_ = 	snop  }
0x3c: {  	p2 =	seq.s32 s10, $0x1;
	s10 =	sld [smem:$0x3FB9]  }
0x3d: {  	_ =	shalt  }
0x3e: {  	_ =	shalt  }
0x3f: {  	_ =	shalt  }
0x40: {  	_ =	shalt  }
0x41: {  	_ =	shalt  }
0x42: {  	_ =	shalt  }
0x43: {  	_ =	shalt  }
0x44: {  	_ =	shalt  }
0x45: {  	_ =	shalt  }
0x46: {  	_ =	shalt  }
0x47: {  	_ =	shalt  }
0x48: {  	_ =	shalt  }
0x49: {  	_ =	shalt  }
0x4a: {  	_ =	shalt  }
0x4b: {  	_ =	shalt  }
0x4c: {  	_ =	shalt  }
0x4d: {  	_ =	shalt  }
0x4e: {  	_ =	shalt  }
0x4f: {  	_ =	shalt  }
0x50: {  	_ =	shalt  }
0x51: {  	_ =	shalt  }
0x52: {  	_ =	shalt  }
0x53: {  	_ =	shalt  }
0x54: {  	_ =	shalt  }
0x55: {  	_ =	shalt  }
0x56: {  	_ =	shalt  }
0x57: {  	_ =	shalt  }
0x58: {  	_ =	shalt  }
0x59: {  	_ =	shalt  }
0x5a: {  	_ =	shalt  }
0x5b: {  	_ =	shalt  }
0x5c: {  	_ =	shalt  }
0x5d: {  	_ =	shalt  }
0x5e: {  	_ =	shalt  }
0x5f: {  	_ =	shalt  }
0x60: {  	_ =	shalt  }
0x61: {  	_ =	shalt  }
0x62: {  	_ =	shalt  }
0x63: {  	_ =	shalt  }
0x64: {  	_ =	shalt  }
0x65: {  	_ =	shalt  }
0x66: {  	_ =	shalt  }
0x67: {  	_ =	shalt  }
0x68: {  	_ =	shalt  }
0x69: {  	_ =	shalt  }
0x6a: {  	_ =	shalt  }
0x6b: {  	_ =	shalt  }
0x6c: {  	_ =	shalt  }
0x6d: {  	_ =	shalt  }
0x6e: {  	_ =	shalt  }
0x6f: {  	_ =	shalt  }
0x70: {  	_ =	shalt  }
0x71: {  	_ =	shalt  }
0x72: {  	_ =	shalt  }
0x73: {  	_ =	shalt  }
0x74: {  	_ =	shalt  }
0x75: {  	_ =	shalt  }
0x76: {  	_ =	shalt  }
0x77: {  	_ =	shalt  }
0x78: {  	_ =	shalt  }
0x79: {  	_ =	shalt  }
0x7a: {  	_ =	shalt  }
0x7b: {  	_ =	shalt  }
0x7c: {  	_ =	shalt  }
0x7d: {  	_ =	shalt  }
0x7e: {  	_ =	shalt  }
0x7f: {  	_ =	shalt  }
0x80: {  	_ =	shalt  }
0x81: {  	_ =	shalt  }
0x82: {  	_ =	shalt  }
0x83: {  	_ =	shalt  }
0x84: {  	_ =	shalt  }
0x85: {  	_ =	shalt  }
0x86: {  	_ =	shalt  }
0x87: {  	_ =	shalt  }
.Lfunc_end0:
.L_simem_size_0:
called_computation_lowered:
.L_overlay_start_0:
0x88: {  	s2 =	sld [smem:$0x3FD9]  }
0x89: {  	s3 =	sld [smem:$0x3FFE];
	_ =	sdelay $0x1  }
0x8a: {  	s1 =	srdreg.scid  }
0x8b: {  	s0 =	sand.u32 $0x1, s1  }
0x8c: {  	s17 =	sshll.u32 s0, $0xA;
	s2 =	sadd.s32 s3, s2  }
0x8d: {  	s2 =	sadd.s32 s2, s17  }
0x8e: {  	[smem:$0x3FC5] =	sst s2  }
0x8f: {  	_ = 	snop  }
0x90: {  	s2 =	sld [smem:$0x3FD0];
	(tm) =	ssettm $0x1  }
0x91: {  	s18 =	sld [smem:$0x3FFB];
	_ =	sdelay $0x3  }
0x92: {  	_ =	strace s18  }
0x93: {  	s3 =	sld [smem:$0x3FFC];
	_ =	sdelay $0x3  }
0x94: {  	_ =	strace s3  }
0x95: {  	s3 =	sld [smem:$0x3FFD];
	_ =	sdelay $0x3  }
0x96: {  	_ =	strace s3  }
0x97: {  	_ =	strace $0x8FFFFFFF  }
0x98: {  	s19 =	sld [smem:$0x3FDB];
	_ =	sdelay $0x1  }
0x99: {  	s4 =	simm.s32 $_scs_section_size  }
0x9a: {  	s5 =	simm.s32 $_size__tile_overlayer_lowered;
	s6 =	simm.s32 $_tile_overlayer_lowered  }
0x9b: {  	s22 =	simm.s32 $0x1BFF;
	s21 =	sshll.u32 s6, $0x1;
	s3 =	sadd.s32 s4, s19  }
0x9c: {  	s7 =	simm.s32 $0x0;
	s20 =	sshll.u32 s5, $0x1;
	s5 =	sadd.s32 s21, s3  }
0x9d: {  	[timem:s7], [sflag:s22] =	dma.local [hbm:s5], s20  }
0x9e: {  	_ =	swait.ge [sflag:s22], s20  }
0x9f: {  	s4 =	ssub.s32 $0x0, s20;
	[sflag:s22] =	ssyncset.done $0x0  }
0xa0: {  	[sflag:s22] =	ssyncadd.s32 s4;
	_ =	sdelay $0x1  }
0xa1: {  	s23 =	simm.s32 $0x1B8B  }
0xa2: {  	_ =	swait.ge [sflag:s23], $0x1  }
0xa3: {  	[sflag:s23] =	ssyncset.done $0x0  }
0xa4: {  	s25 =	simm.s32 $0x1B8E;
	s24 =	sld [smem:$0x3FFE];
	[sflag:s23] =	ssyncadd.s32 $0xFFFFFFFF  }
0xa5: {  	s26 =	simm.s32 $execute0_lowered;
	[smem:$0x3FD2] =	sst s25  }
0xa6: {  	s5 =	sshll.u32 s26, $0x1;
	_ =	strace $0x80000046;
	[dreg:$0x1] =	wrdreg $0xFFFFFFFF  }
0xa7: {  	s28 =	simm.s32 $_size_execute0_lowered;
	s3 =	sadd.s32 s3, s5;
	[dreg:$0x0] =	wrdreg $0x0  }
0xa8: {  	s5 =	sshll.u32 s28, $0x1;
	[dreg:$0x2] =	wrdreg s3  }
0xa9: {  	[dreg:$0x3] =	wrdreg s5  }
0xaa: {  	[dreg:$0x4] =	wrdreg $0xC0  }
0xab: {  	_ =	task [dreg:s7], $0x5FFFF  }
0xac: {  	[dreg:$0x1] =	wrdreg $0xFFFFFFFF  }
0xad: {  	[dreg:$0x0] =	wrdreg $0x60  }
0xae: {  	[dreg:$0x2] =	wrdreg s24  }
0xaf: {  	[dreg:$0x3] =	wrdreg s2  }
0xb0: {  	[dreg:$0x4] =	wrdreg $0x83E00  }
0xb1: {  	[dreg:$0x5] =	wrdreg $0x9  }
0xb2: {  	_ =	task.clear_ibuf [dreg:s7], $0x6FFFF;
	_ =	strace $0x90000046  }
0xb3: {  	s29 =	simm.s32 $0x9;
	_ =	strace $0x80000048  }
0xb4: {  	_ =	swait.ge [sflag:s29], $0x1  }
0xb5: {  	[sflag:s29] =	ssyncadd.s32 $0xFFFFFFFF  }
0xb6: {  	_ =	strace $0x90000048  }
0xb7: {  	_ =	sfence  }
0xb8: {  	s30 =	sld [smem:$0x0];
	_ =	sdelay $0x2  }
0xb9: {  	s31 =	sshll.u32 s1, $0xD;
	s1 =	sshrl.u32 s1, $0x2  }
0xba: {  	s3 =	sand.u32 $0x4000, s31;
	s1 =	sadd.s32 s1, s30  }
0xbb: {  	s0 =	sor.u32 s3, s0;
	s1 =	sshll.u32 s1, $0x11  }
0xbc: {  	s0 =	sor.u32 s1, s0  }
0xbd: {  	s0 =	sadd.s32 $0x8F2B, s0  }
0xbe: {  	[sflag:s0] =	ssyncadd.remote.s32 $0x1  }
0xbf: {  	_ =	sfence.sel $0xFFFF  }
0xc0: {  	[dreg:$0x0] =	wrdreg $0xFFFFFFFF;
	(pc) =	sbr.abs _section_cstart, $3  }
0xc1: {  	[dreg:$0x1] =	wrdreg $0xFFFFFFFF  }
0xc2: {  	_ =	task.clear_ibuf [dreg:s7], $0x2FFFF;
	_ =	strace $0x9FFFFFFF  }
0xc3: {  	(tm) =	ssettm $0x7FFFFFFF  }
tec
execute0_lowered:
.L_overlay_start_1:
0x0: {  	(tag) =	ssettag $0x1  }
0x1: {  	s0 =	rddreg [dreg:$0x0]  }
0x2: {  	s2 =	rddreg [dreg:$0x1];
	s1 =	srdreg.scid  }
0x3: {  	s11 =	stileid.u32;
	s3 =	rddreg [dreg:$0x2]  }
0x4: {  	s4 =	simm.s32 $0x0;
	s29 =	simm.s32 $0x140;
	s30 =	simm.s32 $0x190  }
0x5: {  	s31 =	simm.s32 $0x2;
	s1 =	sand.u32 $0x1, s1;
	s9 =	smul.u32 $0x57E40, s11  }
0x6: {  	s7 =	smul.u32 $0x15F90, s11;
	[smem:$0x7FF] =	sst s4;
	s11 =	sshll.u32 s11, $0x1  }
0x7: {  	s5 =	smul.u32 $0x15F900, s1;
	_ =	strace $0x80000047;
	s9 =	sshrl.u32 s9, $0x2  }
0x8: {  	s14 =	ssub.s32 $0x2, s1;
	s1 =	sor.u32 s1, s11;
	s15 =	sadd.s32 s9, s3  }
0x9: {  	s10 =	sshrl.u32 s14, $0x1;
	s6 =	sadd.s32 s7, s5;
	s9 =	sadd.s32 $0x2D00, s15  }
0xa: {  	s5 =	sadd.s32 $0x14200, s0;
	s17 =	sadd.s32 $0x5A00, s15;
	[dreg:$0x4] =	wrdreg s9  }
0xb: {  	s8 =	sshrl.u32 s6, $0x3;
	s18 =	sadd.s32 $0x8700, s15;
	[dreg:$0x5] =	wrdreg s17  }
0xc: {  	s6 =	sadd.s32 $0x800, s0;
	s19 =	sadd.s32 $0xB400, s15;
	[dreg:$0x6] =	wrdreg s18  }
0xd: {  	s20 =	sadd.s32 $0xE100, s15;
	s22 =	sadd.s32 $0x10E00, s15;
	[dreg:$0x7] =	wrdreg s19  }
0xe: {  	s0 =	sadd.s32 s8, s0;
	s8 =	ssub.s32 s14, s10;
	[dreg:$0x8] =	wrdreg s20  }
0xf: {  	s9 =	smul.u32 $0x4E20, s1;
	[dreg:$0x9] =	wrdreg s22;
	s10 =	sadd.s32 $0x13B00, s15  }
0x10: {  	s28 =	simm.s32 $0x1;
	[dreg:$0xa] =	wrdreg s10;
	s0 =	sadd.s32 $0x40200, s0  }
0x11: {  	s26 =	smax.u32 s8, $0x1;
	s21 =	sshrl.u32 s9, $0x3;
	[dreg:$0xe] =	wrdreg s0  }
0x12: {  	s14 =	sadd.s32 $0x50, s9;
	[dreg:$0xf] =	wrdreg s26;
	s16 =	sadd.s32 s6, s21  }
.Ltmp0:
0x13: {  	s23 =	sshrl.u32 s14, $0x3;
	s24 =	sadd.s32 $0x14, s16;
	(pc) =	sbr.rel .LBB2_1-.Ltmp0, $4  }
0x14: {  	s7 =	sadd.s32 s7, s3;
	s1 =	sadd.s32 s6, s23;
	[dreg:$0xb] =	wrdreg s24  }
0x15: {  	s26 =	simm.s32 $0x2EE0;
	s25 =	sadd.s32 $0x1E, s16;
	[dreg:$0xc] =	wrdreg s1  }
0x16: {  	s0 =	simm.s32 $0x5;
	s23 =	simm.s32 $0x1E0;
	[dreg:$0xd] =	wrdreg s25  }
0x17: {  	v0 =	vimm.f32 $0.0e+00;
	s24 =	simm.s32 $0x7;
	s25 =	simm.s32 $0x50;
	s1 =	simm.s32 $0x6  }
.LBB2_12:
0x18: {  	s8 =	stileid.u32  }
0x19: {  	[bflag:$0x0] =	sbarrier.arrive $0xFFFF;
	s8 =	sshll.u32 s8, $0x6  }
0x1a: {  	s10 =	sshrl.u32 s7, $0x3;
	s11 =	rddreg [dreg:$0xe];
	s8 =	sor.u32 $0x1C07, s8  }
0x1b: {  	[hbm:s11], [sflag:s8] =	dma.local [spmem:s10], $0x2BF2  }
0x1c: {  	_ =	swait.ge [sflag:s24], $0x2BF2  }
0x1d: {  	s4 =	sadd.s32 $0x1, s4;
	s22 =	rddreg [dreg:$0xf]  }
0x1e: {  	p0 =	sne.s32 s4, s22  }
.Ltmp1:
0x1f: {  	_ = 	snop;
	(pc) =	sbr.rel @!p0 .LBB2_13-.Ltmp1, $3  }
0x20: {  	_ =	sdelay $0x1  }
0x21: {  	[sflag:s24] =	ssyncset.done $0x0  }
0x22: {  	[sflag:s24] =	ssyncadd.s32 $0xFFFFD40E  }
.LBB2_1:
0x23: {  	s8 =	simm.s32 $0x0;
	s10 =	simm.s32 $0x240  }
.LBB2_2:
0x24: {  	p0 =	sne.s32 s10, $0xB1C0;
	[tilespmem:s8+$0x260] =	vst v0  }
0x25: {  	[tilespmem:s8+$0x1E0] =	vst v0  }
0x26: {  	[tilespmem:s8+$0x1F0] =	vst v0  }
0x27: {  	[tilespmem:s8+$0x200] =	vst v0  }
.Ltmp2:
0x28: {  	[tilespmem:s8+$0x210] =	vst v0;
	(pc) =	sbr.rel @p0 .LBB2_2-.Ltmp2, $4  }
0x29: {  	[tilespmem:s8+$0x220] =	vst v0  }
0x2a: {  	[tilespmem:s8+$0x230] =	vst v0  }
0x2b: {  	[tilespmem:s8+$0x240] =	vst v0  }
0x2c: {  	[tilespmem:s8+$0x250] =	vst v0;
	s8 =	sshra.s32 s10, $0x2;
	s10 =	sadd.s32 $0x240, s10  }
0x2d: {  	[tilespmem:s8+$0x260] =	vst v0  }
0x2e: {  	[tilespmem:s8+$0x1E0] =	vst v0  }
0x2f: {  	[tilespmem:s8+$0x1F0] =	vst v0  }
0x30: {  	[tilespmem:s8+$0x200] =	vst v0  }
0x31: {  	[tilespmem:s8+$0x210] =	vst v0  }
0x32: {  	[tilespmem:s8+$0x220] =	vst v0  }
0x33: {  	[tilespmem:s8+$0x230] =	vst v0  }
0x34: {  	[tilespmem:s8+$0x240] =	vst v0  }
0x35: {  	[tilespmem:s8+$0x250] =	vst v0  }
0x36: {  	[spmem:s7] =	stream.linear.scatter [tilespmem:s23], [sflag:$0x7], $0x2D00, $0x38;
	[tilespmem:$0x1E370] =	vst v63  }
0x37: {  	_ =	swait.ge [sflag:s24], $0x2D00  }
0x38: {  	[sflag:s24] =	ssyncset.done $0x0  }
0x39: {  	s11 =	rddreg [dreg:$0x4];
	[sflag:s24] =	ssyncadd.s32 $0xFFFFD300  }
0x3a: {  	[spmem:s11] =	stream.linear.scatter [tilespmem:s23], [sflag:$0x7], $0x2D00, $0x38;
	[tilespmem:$0x1E370] =	vst v63  }
0x3b: {  	_ =	swait.ge [sflag:s24], $0x2D00  }
0x3c: {  	[sflag:s24] =	ssyncset.done $0x0  }
0x3d: {  	s12 =	rddreg [dreg:$0x5];
	[sflag:s24] =	ssyncadd.s32 $0xFFFFD300  }
0x3e: {  	[spmem:s12] =	stream.linear.scatter [tilespmem:s23], [sflag:$0x7], $0x2D00, $0x38;
	[tilespmem:$0x1E370] =	vst v63  }
0x3f: {  	_ =	swait.ge [sflag:s24], $0x2D00  }
0x40: {  	[sflag:s24] =	ssyncset.done $0x0  }
0x41: {  	s13 =	rddreg [dreg:$0x6];
	[sflag:s24] =	ssyncadd.s32 $0xFFFFD300  }
0x42: {  	[spmem:s13] =	stream.linear.scatter [tilespmem:s23], [sflag:$0x7], $0x2D00, $0x38;
	[tilespmem:$0x1E370] =	vst v63  }
0x43: {  	_ =	swait.ge [sflag:s24], $0x2D00  }
0x44: {  	[sflag:s24] =	ssyncset.done $0x0  }
0x45: {  	s15 =	rddreg [dreg:$0x7];
	[sflag:s24] =	ssyncadd.s32 $0xFFFFD300  }
0x46: {  	[spmem:s15] =	stream.linear.scatter [tilespmem:s23], [sflag:$0x7], $0x2D00, $0x38;
	[tilespmem:$0x1E370] =	vst v63  }
0x47: {  	_ =	swait.ge [sflag:s24], $0x2D00  }
0x48: {  	[sflag:s24] =	ssyncset.done $0x0  }
0x49: {  	s17 =	rddreg [dreg:$0x8];
	[sflag:s24] =	ssyncadd.s32 $0xFFFFD300  }
0x4a: {  	[spmem:s17] =	stream.linear.scatter [tilespmem:s23], [sflag:$0x7], $0x2D00, $0x38;
	[tilespmem:$0x1E370] =	vst v63  }
0x4b: {  	_ =	swait.ge [sflag:s24], $0x2D00  }
0x4c: {  	[sflag:s24] =	ssyncset.done $0x0  }
0x4d: {  	s18 =	rddreg [dreg:$0x9];
	[sflag:s24] =	ssyncadd.s32 $0xFFFFD300  }
0x4e: {  	[spmem:s18] =	stream.linear.scatter [tilespmem:s23], [sflag:$0x7], $0x2D00, $0x38;
	[tilespmem:$0x1E370] =	vst v63  }
0x4f: {  	_ =	swait.ge [sflag:s24], $0x2D00  }
0x50: {  	[sflag:s24] =	ssyncset.done $0x0  }
0x51: {  	s19 =	rddreg [dreg:$0xa];
	[sflag:s24] =	ssyncadd.s32 $0xFFFFD300  }
0x52: {  	[spmem:s19] =	stream.linear.scatter [tilespmem:s23], [sflag:$0x7], $0x2490, $0x38;
	[tilespmem:$0x1E370] =	vst v63  }
0x53: {  	_ =	swait.ge [sflag:s24], $0x2490  }
0x54: {  	[sflag:s24] =	ssyncset.done $0x0  }
0x55: {  	[sflag:s24] =	ssyncadd.s32 $0xFFFFDB70  }
0x56: {  	s8 =	simm.s32 $0x0;
	[bflag:$0x0] =	sbarrier.arrive $0xFFFF  }
0x57: {  	[tilespmem:s8], [sflag:$0x7] =	stream.linear.gather [hbm4b:s16+s8], $0xA0, $0x38;
	[tilespmem:$0x1E370] =	vst v63  }
0x58: {  	_ =	swait.ge [sflag:s24], $0xA0  }
0x59: {  	[sflag:s24] =	ssyncset.done $0x0  }
0x5a: {  	[sflag:s24] =	ssyncadd.s32 $0xFFFFFF60  }
0x5b: {  	[tilespmem:s23], [sflag:$0x1] =	stream.indirect.gather [hbm4b:s5+s25], $0x90, s8, s25, $0xb8;
	[tilespmem:$0x1E370] =	vst v63  }
0x5c: {  	s10 =	simm.s32 $0x5BE0  }
0x5d: {  	[tilespmem:s10], [sflag:$0x1] =	stream.indirect.gather [hbm4b:s2+s25], $0x40, s25, s25, $0xb8;
	[tilespmem:$0x1E370] =	vst v63  }
0x5e: {  	s11 =	simm.s32 $0xA0;
	s20 =	rddreg [dreg:$0xb]  }
0x5f: {  	[tilespmem:s11], [sflag:$0x4] =	stream.linear.gather [hbm4b:s20+s8], $0xA0, $0x38;
	[tilespmem:$0x1E370] =	vst v63  }
.Ltmp3:
0x60: {  	_ = 	snop;
	(pc) =	sbr.rel .LBB2_4-.Ltmp3, $4  }
0x61: {  	s21 =	rddreg [dreg:$0xc]  }
0x62: {  	[tilespmem:s29], [sflag:$0x5] =	stream.linear.gather [hbm4b:s21+s8], $0x50, $0x38;
	[tilespmem:$0x1E370] =	vst v63  }
0x63: {  	s22 =	rddreg [dreg:$0xd]  }
0x64: {  	[tilespmem:s30], [sflag:$0x6] =	stream.linear.gather [hbm4b:s22+s8], $0x50, $0x38;
	[tilespmem:$0x1E370] =	vst v63  }
.LBB2_11:
0x65: {  	s8 =	sadd.s32 $0x1, s8  }
0x66: {  	p0 =	sne.s32 s8, $0x7D  }
.Ltmp4:
0x67: {  	_ = 	snop;
	(pc) =	sbr.rel @!p0 .LBB2_12-.Ltmp4, $1  }
0x68: {  	_ =	sdelay $0x3  }
.LBB2_4:
0x69: {  	s10 =	sand.u32 $0x1, s8  }
0x6a: {  	p0 =	seq.s32 s10, $0x1  }
.Ltmp5:
0x6b: {  	_ = 	snop;
	(pc) =	sbr.rel @p0 .LBB2_8-.Ltmp5, $1  }
0x6c: {  	_ =	sdelay $0x3  }
0x6d: {  	p0 =	seq.s32 s8, $0x7C  }
0x6e: {  	s11 =	simm.s32 @!p0 $0x4  }
0x6f: {  	_ =	swait.ge @!p0 [sflag:s11], $0xA0  }
0x70: {  	s12 =	simm.s32 @!p0 $0xA0;
	[sflag:s11] =	ssyncset.done @!p0 $0x0  }
0x71: {  	s13 =	simm.s32 @!p0 $0x2EE0;
	[sflag:s11] =	ssyncadd.s32 @!p0 $0xFFFFFF60;
	s11 =	simm.s32 @!p0 $0x50  }
0x72: {  	[tilespmem:s13], [sflag:$0x2] =	stream.indirect.gather @!p0 [hbm4b:s5+s11], $0x90, s12, s11, $0xb8;
	[tilespmem:$0x1E370] =	vst v63  }
0x73: {  	s12 =	simm.s32 @!p0 $0xF0;
	s13 =	simm.s32 @!p0 $0x6FE0  }
0x74: {  	[tilespmem:s13], [sflag:$0x2] =	stream.indirect.gather @!p0 [hbm4b:s2+s11], $0x40, s12, s11, $0xb8;
	[tilespmem:$0x1E370] =	vst v63  }
0x75: {  	s11 =	sadd.s32 $0x2, s8;
	p0 =	sgt.u32 s8, $0x7A;
	_ =	swait.ge [sflag:s28], $0x2D00  }
0x76: {  	s11 =	smul.u32 @!p0 $0xA0, s11;
	[sflag:s28] =	ssyncset.done $0x0  }
0x77: {  	[sflag:s28] =	ssyncadd.s32 $0xFFFFD300  }
0x78: {  	s12 =	sadd.s32 @!p0 s9, s11;
	_ =	swait.ge [sflag:s28], $0x1400  }
0x79: {  	s12 =	sshrl.u32 @!p0 s12, $0x3;
	[sflag:s28] =	ssyncset.done $0x0  }
0x7a: {  	s13 =	simm.s32 @!p0 $0x0;
	s12 =	sadd.s32 @!p0 s6, s12;
	[sflag:s28] =	ssyncadd.s32 $0xFFFFEC00  }
0x7b: {  	[tilespmem:s13], [sflag:$0x3] =	stream.linear.gather @!p0 [hbm4b:s12+s13], $0xA0, $0x38;
	[tilespmem:$0x1E370] =	vst v63  }
0x7c: {  	s12 =	simm.s32 $0x270  }
0x7d: {  	v30 =	vld [tilespmem:s12+$0x0]  }
0x7e: {  	v31 =	vld [tilespmem:s12+$0x10]  }
0x7f: {  	v33 =	vld [tilespmem:s12+$0x20]  }
0x80: {  	v35 =	vld [tilespmem:s12+$0x30]  }
0x81: {  	s19 =	simm.s32 $0x5C20;
	v1 =	vld [tilespmem:s12+$0x40]  }
0x82: {  	v4 =	vld [tilespmem:s19+$0x0]  }
0x83: {  	v6 =	vld [tilespmem:s19+$0x10]  }
0x84: {  	v7 =	vld [tilespmem:s19+$0x20]  }
0x85: {  	v3 =	vld [tilespmem:s12+$0x50]  }
0x86: {  	v8 =	vld [tilespmem:s19+$0x30]  }
0x87: {  	v5 =	vld [tilespmem:s12+$0x60]  }
0x88: {  	v2 =	vld [tilespmem:s12+$0x70]  }
0x89: {  	v10 =	vld [tilespmem:s19+$0xFFFFFFC0]  }
0x8a: {  	v13 =	vld [tilespmem:s19+$0xFFFFFFD0];
	v9 =	vunpack.i.u.bf16.f32 v4;
	v4 =	vunpack.i.l.bf16.f32 v4  }
0x8b: {  	v14 =	vld [tilespmem:s19+$0xFFFFFFE0];
	v11 =	vunpack.i.u.bf16.f32 v6;
	v6 =	vunpack.i.l.bf16.f32 v6;
	v12 =	vunpack.i.u.bf16.f32 v7  }
0x8c: {  	v16 =	vld [tilespmem:s19+$0xFFFFFFF0];
	v7 =	vunpack.i.l.bf16.f32 v7;
	v4 =	vmul.f32 v4, v30;
	v9 =	vmul.f32 v9, v31  }
0x8d: {  	v48 =	vld [tilespmem:s12+$0xFFFFFF80];
	v15 =	vunpack.i.u.bf16.f32 v8;
	v6 =	vmul.f32 v6, v33;
	v11 =	vmul.f32 v11, v35  }
0x8e: {  	v47 =	vld [tilespmem:s12+$0xFFFFFF90];
	v8 =	vunpack.i.l.bf16.f32 v8;
	v7 =	vmul.f32 v7, v1;
	v12 =	vmul.f32 v12, v3  }
0x8f: {  	v46 =	vld [tilespmem:s12+$0xFFFFFFA0];
	v8 =	vmul.f32 v8, v5;
	v15 =	vmul.f32 v15, v2  }
0x90: {  	v44 =	vld [tilespmem:s12+$0xFFFFFFB0];
	v4 =	vadd.f32 v4, v9;
	v6 =	vadd.f32 v6, v11  }
0x91: {  	v25 =	vld [tilespmem:s12+$0xFFFFFFE0];
	v7 =	vadd.f32 v7, v12;
	v8 =	vadd.f32 v8, v15  }
0x92: {  	v45 =	vld [tilespmem:s12+$0xFFFFFFC0]  }
0x93: {  	v39 =	vld [tilespmem:s12+$0xFFFFFF70];
	v4 =	vadd.f32 v6, v4;
	v6 =	vadd.f32 v8, v7  }
0x94: {  	v22 =	vld [tilespmem:s12+$0xFFFFFFD0];
	v9 =	vunpack.i.l.bf16.f32 v13;
	v11 =	vunpack.i.l.bf16.f32 v14;
	v12 =	vunpack.i.u.bf16.f32 v16  }
0x95: {  	v9 =	vmul.f32 v9, v47;
	v11 =	vmul.f32 v11, v44;
	v4 =	vadd.f32 v6, v4  }
0x96: {  	v12 =	vmul.f32 v12, v25;
	v7 =	vunpack.i.u.bf16.f32 v10;
	v8 =	vunpack.i.l.bf16.f32 v10  }
0x97: {  	v10 =	vunpack.i.u.bf16.f32 v14;
	v7 =	vmul.f32 v7, v48;
	v6 =	vunpack.i.u.bf16.f32 v13;
	(xrf2) =	vadd.scan.msk.f32 $0xffff, v4  }
0x98: {  	v8 =	vmul.f32 v8, v39;
	v6 =	vmul.f32 v6, v46;
	v4 =	vunpack.i.l.bf16.f32 v16  }
0x99: {  	v10 =	vmul.f32 v10, v45;
	v4 =	vmul.f32 v4, v22  }
0x9a: {  	v28 =	vld [tilespmem:s12+$0xFFFFFFF0];
	v7 =	vadd.f32 v8, v7;
	v6 =	vadd.f32 v9, v6  }
0x9b: {  	s15 =	simm.s32 $0x5CA0;
	v34 =	vld [tilespmem:s12+$0x80];
	v9 =	vadd.f32 v11, v10;
	v4 =	vadd.f32 v4, v12  }
0x9c: {  	v19 =	vld [tilespmem:s15+$0xFFFFFFC0]  }
0x9d: {  	v15 =	vld [tilespmem:s15+$0x20];
	v6 =	vadd.f32 v6, v7;
	v4 =	vadd.f32 v4, v9  }
0x9e: {  	v14 =	vld [tilespmem:s15+$0x10]  }
0x9f: {  	s13 =	simm.s32 $0x390;
	v13 =	vld [tilespmem:s15+$0x0];
	v6 =	vadd.f32 v4, v6  }
0xa0: {  	v8 =	vld [tilespmem:s13+$0x60]  }
0xa1: {  	(v2sf) =	vpush v28, $0x1;
	v16 =	vld [tilespmem:s15+$0x30];
	v7, _, _ =	vpop (xrf2);
	(xrf2) =	vadd.scan.msk.f32 $0xffff, v6  }
0xa2: {  	(v2sf) =	vpush v34, $0x1;
	v10 =	vld [tilespmem:s13+$0x0]  }
0xa3: {  	v11 =	vld [tilespmem:s13+$0x20];
	(v2sf) =	vpush v7, $0xF  }
0xa4: {  	v12 =	vld [tilespmem:s13+$0x10]  }
0xa5: {  	v9 =	vld [tilespmem:s13+$0x30]  }
0xa6: {  	v4 =	vld [tilespmem:s13+$0x40]  }
0xa7: {  	v20 =	vunpack.i.u.bf16.f32 v15;
	v6 =	vld [tilespmem:s13+$0x70]  }
0xa8: {  	v18 =	vunpack.i.u.bf16.f32 v14;
	v17 =	vunpack.i.u.bf16.f32 v13;
	v13 =	vunpack.i.l.bf16.f32 v13;
	v7 =	vld [tilespmem:s13+$0x50]  }
0xa9: {  	v21 =	vld [tilespmem:s15+$0xFFFFFFD0];
	v14 =	vunpack.i.l.bf16.f32 v14;
	v23 =	vmul.f32 v13, v10;
	v13 =	vunpack.i.l.bf16.f32 v15  }
0xaa: {  	v24 =	vld [tilespmem:s15+$0xFFFFFFE0];
	v15 =	vmul.f32 v14, v11;
	v14 =	vunpack.i.u.bf16.f32 v16;
	v16 =	vunpack.i.l.bf16.f32 v16  }
0xab: {  	v27 =	vld [tilespmem:s15+$0xFFFFFFF0];
	v16 =	vmul.f32 v16, v8;
	v18 =	vmul.f32 v18, v9;
	v29, _, _ =	vpop (xrf2)  }
0xac: {  	v17 =	vmul.f32 v17, v12;
	v26 =	vmul.f32 v13, v4;
	v13 =	vld [tilespmem:s13+$0xFFFFFF80];
	(v2sf) =	vpush v29, $0xF  }
0xad: {  	v18 =	vadd.f32 v15, v18;
	v15 =	vld [tilespmem:s13+$0xFFFFFFA0];
	v32 =	vmul.f32 v14, v6;
	v20 =	vmul.f32 v20, v7  }
0xae: {  	v17 =	vadd.f32 v23, v17;
	v14 =	vld [tilespmem:s13+$0xFFFFFF90]  }
0xaf: {  	v23 =	vadd.f32 v16, v32;
	v16 =	vld [tilespmem:s13+$0xFFFFFFC0];
	v20 =	vadd.f32 v26, v20  }
0xb0: {  	s17 =	spop (v2sf);
	v26 =	vadd.f32 v18, v17;
	v17 =	vld [tilespmem:s13+$0xFFFFFFD0]  }
0xb1: {  	v54 =	vunpack.i.u.bf16.f32 v21;
	s20 =	spop (v2sf);
	v18 =	vld [tilespmem:s13+$0xFFFFFFE0];
	v20 =	vadd.f32 v23, v20  }
0xb2: {  	v21 =	vunpack.i.l.bf16.f32 v21;
	v36 =	vunpack.i.u.bf16.f32 v24;
	v24 =	vunpack.i.l.bf16.f32 v24;
	v29 =	vld [tilespmem:s13+$0xFFFFFFB0];
	s18 =	spop (v2sf)  }
0xb3: {  	v38 =	vunpack.i.u.bf16.f32 v27;
	v27 =	vunpack.i.l.bf16.f32 v27;
	v20 =	vadd.f32 v20, v26;
	v26 =	vld [tilespmem:s13+$0xFFFFFF70];
	s15 =	smul.f32 s18, s20  }
0xb4: {  	v23 =	vunpack.i.u.bf16.f32 v19;
	v21 =	vmul.f32 v21, v14;
	v19 =	vunpack.i.l.bf16.f32 v19  }
0xb5: {  	v23 =	vmul.f32 v23, v13;
	v36 =	vmul.f32 v36, v16;
	(xrf2) =	vadd.scan.msk.f32 $0xffff, v20;
	v37 =	vmov s15  }
0xb6: {  	v27 =	vmul.f32 v27, v17;
	v20 =	vmul.f32 v54, v15;
	v37 =	vmax.f32 v37, $-2.000000000e+00  }
0xb7: {  	v38 =	vmul.f32 v38, v18;
	v24 =	vmul.f32 v24, v29;
	v55 =	vmin.f32 v37, $2.000000000e+00  }
0xb8: {  	v32 =	vld [tilespmem:s13+$0xFFFFFFF0];
	v41 =	vadd.f32 v21, v20;
	v19 =	vmul.f32 v19, v26;
	s15 =	simm.s32 $0x4B0;
	v37 =	vmul.f32 $1.442695020e+00, v55  }
0xb9: {  	v21 =	vadd.f32 v24, v36;
	v24 =	vadd.f32 v27, v38;
	v20 =	vld [tilespmem:s15+$0x0]  }
0xba: {  	v19 =	vadd.f32 v19, v23;
	v40 =	vbroadcast v37, $0x0;
	v37 =	vld [tilespmem:s13+$0x80]  }
0xbb: {  	v27 =	vadd.f32 v24, v21;
	v21 =	vld [tilespmem:s15+$0x10];
	s21 =	spop (v2sf)  }
0xbc: {  	v24 =	vld [tilespmem:s15+$0x20];
	v19 =	vadd.f32 v41, v19;
	(erf) = vpow2.f32 v40;
	s17 =	smul.f32 s21, s17  }
0xbd: {  	v23 =	vld [tilespmem:s15+$0x30]  }
0xbe: {  	(v2sf) =	vpush v32, $0x1;
	v27 =	vadd.f32 v27, v19;
	v19 =	vld [tilespmem:s15+$0x40];
	v57 =	vmov s17;
	s17 =	simm.s32 $0x5D20  }
0xbf: {  	v56, _, _ =	vpop (xrf2);
	(v2sf) =	vpush v37, $0x1;
	v59 =	vld [tilespmem:s17+$0x0]  }
0xc0: {  	(v2sf) =	vpush v56, $0xF;
	v61 =	vld [tilespmem:s17+$0x10]  }
0xc1: {  	(xrf2) =	vadd.scan.msk.f32 $0xffff, v27;
	v58 =	vmax.f32 v57, $-2.000000000e+00;
	v42 =	vld [tilespmem:s17+$0x20]  }
0xc2: {  	v63 =	vld [tilespmem:s17+$0x30];
	v27 =	vmin.f32 v58, $2.000000000e+00  }
0xc3: {  	v51 =	vld [tilespmem:s17+$0xFFFFFFC0];
	v62 =	vmul.f32 $1.442695020e+00, v27  }
0xc4: {  	v57 =	vld [tilespmem:s17+$0xFFFFFFF0]  }
0xc5: {  	v27 =	vld [tilespmem:s15+$0x50];
	v41 =	vbroadcast v62, $0x0;
	v38 =	vpop (erf);
	v60 =	vunpack.i.u.bf16.f32 v59;
	v40 =	vunpack.i.l.bf16.f32 v59  }
0xc6: {  	v52 =	vunpack.i.u.bf16.f32 v61;
	v36 =	vunpack.i.l.bf16.f32 v61;
	v49 =	vmul.f32 v38, v30;
	v30 =	vld [tilespmem:s15+$0x60]  }
0xc7: {  	v53 =	vunpack.i.u.bf16.f32 v42;
	v42 =	vunpack.i.l.bf16.f32 v42;
	v50 =	vmul.f32 v38, v31;
	v31 =	vld [tilespmem:s15+$0x70]  }
0xc8: {  	v54 =	vld [tilespmem:s17+$0xFFFFFFD0];
	v56 =	vunpack.i.u.bf16.f32 v63;
	v43 =	vmul.f32 v38, v34;
	(erf) = vpow2.f32 v41  }
0xc9: {  	v55 =	vld [tilespmem:s17+$0xFFFFFFE0];
	v58 =	vunpack.i.l.bf16.f32 v63;
	v40 =	vmul.f32 v40, v20;
	v41 =	vmul.f32 v60, v21  }
0xca: {  	v62 =	vunpack.i.l.bf16.f32 v57;
	v36 =	vmul.f32 v36, v24;
	v52 =	vmul.f32 v52, v23;
	v34 =	vld [tilespmem:s15+$0xFFFFFF80]  }
0xcb: {  	v59, _, _ =	vpop (xrf2);
	v42 =	vmul.f32 v42, v19;
	v53 =	vmul.f32 v53, v27;
	v60 =	vadd.f32 v40, v41;
	v40 =	vld [tilespmem:s15+$0xFFFFFFB0]  }
0xcc: {  	(v2sf) =	vpush v59, $0xF;
	v41 =	vld [tilespmem:s15+$0xFFFFFFC0];
	v58 =	vmul.f32 v58, v30;
	v56 =	vmul.f32 v56, v31  }
0xcd: {  	s20 =	spop (v2sf);
	v57 =	vunpack.i.u.bf16.f32 v57;
	v59 =	vmul.f32 v38, v33;
	v36 =	vadd.f32 v36, v52;
	[tilespmem:s12+$0x80] =	vst v43;
	v43 =	vld [tilespmem:s15+$0xFFFFFFE0]  }
0xce: {  	v52 =	vmul.f32 v38, v35;
	v35 =	vld [tilespmem:s15+$0xFFFFFFA0];
	v42 =	vadd.f32 v42, v53;
	v61 =	vadd.f32 v58, v56;
	s22 =	spop (v2sf)  }
0xcf: {  	v36 =	vadd.f32 v36, v60;
	v60 =	vunpack.i.u.bf16.f32 v55;
	v55 =	vunpack.i.l.bf16.f32 v55;
	s19 =	spop (v2sf)  }
0xd0: {  	v33 =	vld [tilespmem:s15+$0xFFFFFF90];
	v56 =	vunpack.i.u.bf16.f32 v51;
	v58 =	vunpack.i.u.bf16.f32 v54;
	v53 =	vadd.f32 v61, v42;
	s18 =	smul.f32 s19, s22  }
0xd1: {  	v54 =	vunpack.i.l.bf16.f32 v54;
	v55 =	vmul.f32 v55, v40;
	v63 =	vmul.f32 v60, v41  }
0xd2: {  	[tilespmem:s12+$0x0] =	vst v49;
	v60 =	vmul.f32 v57, v43;
	v42 =	vld [tilespmem:s15+$0xFFFFFFD0];
	v53 =	vadd.f32 v53, v36;
	v61 =	vmov s18  }
0xd3: {  	[tilespmem:s12+$0x10] =	vst v50;
	v56 =	vmul.f32 v56, v34;
	v50 =	vmul.f32 v58, v35;
	v49 =	vpop (erf);
	v36 =	vld [tilespmem:s15+$0xFFFFFF70];
	v58 =	vmax.f32 v61, $-2.000000000e+00  }
0xd4: {  	v48 =	vmul.f32 v49, v48;
	v61 =	vmul.f32 v49, v39;
	v39 =	vld [tilespmem:s15+$0xFFFFFFF0];
	(xrf2) =	vadd.scan.msk.f32 $0xffff, v53;
	v58 =	vmin.f32 v58, $2.000000000e+00  }
0xd5: {  	[tilespmem:s12+$0x30] =	vst v52;
	v54 =	vmul.f32 v54, v33;
	v58 =	vmul.f32 $1.442695020e+00, v58  }
0xd6: {  	v45 =	vmul.f32 v49, v45;
	[tilespmem:s12+$0xFFFFFF80] =	vst v48;
	v48 =	vadd.f32 v55, v63;
	v63 =	vmul.f32 v49, v46  }
0xd7: {  	v51 =	vunpack.i.l.bf16.f32 v51;
	v52 =	vmul.f32 v62, v42;
	[tilespmem:s12+$0xFFFFFF70] =	vst v61;
	v61 =	vbroadcast v58, $0x0  }
0xd8: {  	[tilespmem:s12+$0x20] =	vst v59;
	v53 =	vmul.f32 v49, v47;
	v62 =	vmul.f32 v51, v36  }
0xd9: {  	v46 =	vld [tilespmem:s15+$0x80];
	[tilespmem:s12+$0xFFFFFFA0] =	vst v63;
	v51 =	vadd.f32 v52, v60;
	(v2sf) =	vpush v39, $0x1;
	(erf) = vpow2.f32 v61  }
0xda: {  	s19 =	simm.s32 $0x5D0;
	s18 =	simm.s32 $0x4;
	v47 =	vadd.f32 v54, v50;
	v50 =	vmul.f32 v49, v44;
	[tilespmem:s12+$0xFFFFFF90] =	vst v53;
	v52 =	vadd.f32 v62, v56  }
.LBB2_6:
0xdb: {  	v53 =	vld [tilespmem:s19+$0x0];
	v48 =	vadd.f32 v51, v48;
	s21 =	spop (v2sf);
	v22 =	vmul.f32 v49, v22;
	v25 =	vmul.f32 v49, v25;
	v44 =	vmovc v29  }
0xdc: {  	v28 =	vmul.f32 v49, v28;
	v51 =	vld [tilespmem:s19+$0x10];
	v29 =	vadd.f32 v47, v52;
	s20 =	smul.f32 s21, s20;
	[tilespmem:s12+$0xFFFFFFB0] =	vst v50;
	v47 =	vmul.f32 v38, v1  }
0xdd: {  	v50 =	vmul.f32 v38, v3;
	v52 =	vmul.f32 v38, v5;
	v1 =	vmovc v4;
	v4 =	vmov v19;
	v49 =	vld [tilespmem:s19+$0x20];
	[tilespmem:s12+$0xFFFFFFC0] =	vst v45  }
0xde: {  	v54 =	vld [tilespmem:s19+$0x30];
	v57 =	vadd.f32 v48, v29;
	(v2sf) =	vpush v46, $0x1;
	v3, _, _ =	vpop (xrf2);
	v29 =	vmov s20;
	[tilespmem:s12+$0xFFFFFFD0] =	vst v22  }
0xdf: {  	s17 =	sadd.s32 $0x80, s17;
	v48 =	vmul.f32 v38, v2;
	v19 =	vld [tilespmem:s19+$0x40];
	(v2sf) =	vpush v3, $0xF;
	v22 =	vmax.f32 v29, $-2.000000000e+00;
	[tilespmem:s12+$0xFFFFFFE0] =	vst v25;
	v3 =	vmovc v7;
	v7 =	vmovc v27  }
0xe0: {  	v5 =	vmovc v8;
	v8 =	vmov v30;
	v55 =	vld [tilespmem:s17+$0x0];
	(xrf2) =	vadd.scan.msk.f32 $0xffff, v57;
	v25 =	vmin.f32 v22, $2.000000000e+00;
	[tilespmem:s12+$0xFFFFFFF0] =	vst v28  }
0xe1: {  	v45 =	vmovc v16;
	v2 =	vmovc v6;
	v6 =	vmov v31;
	v56 =	vld [tilespmem:s17+$0x10];
	v30 =	vmul.f32 $1.442695020e+00, v25;
	[tilespmem:s12+$0x40] =	vst v47;
	v29 =	vmov v40  }
0xe2: {  	v16 =	vmov v41;
	v40 =	vld [tilespmem:s17+$0x20];
	v38 =	vpop (erf);
	[tilespmem:s12+$0x50] =	vst v50;
	v22 =	vmov v17;
	v17 =	vmov v42  }
0xe3: {  	v28 =	vmovc v32;
	v27 =	vld [tilespmem:s19+$0x50];
	v31 =	vbroadcast v30, $0x0;
	v37 =	vmul.f32 v38, v37;
	[tilespmem:s12+$0x60] =	vst v52;
	v25 =	vmovc v18;
	v18 =	vmov v43  }
0xe4: {  	v57 =	vmul.f32 v38, v10;
	v42 =	vmul.f32 v38, v12;
	v10 =	vmovc v20;
	v20 =	vmov v53;
	v41 =	vld [tilespmem:s17+$0x30];
	[tilespmem:s12+$0x70] =	vst v48;
	s12 =	smov.u32 s13;
	s13 =	smov.u32 s15;
	s15 =	smov.u32 s19  }
0xe5: {  	s18 =	sadd.s32 $0x2, s18;
	v43 =	vmul.f32 v38, v11;
	v12 =	vmovc v21;
	v21 =	vmovc v51;
	v11 =	vmov v24;
	v30 =	vld [tilespmem:s19+$0x60];
	[tilespmem:s12+$0x80] =	vst v37;
	(erf) = vpow2.f32 v31  }
0xe6: {  	p1 =	slt.u32 s18, $0x4E;
	v24 =	vmovc v49;
	v48 =	vmul.f32 v38, v9;
	v9 =	vmovc v23;
	v53 =	vunpack.i.u.bf16.f32 v55;
	v47 =	vunpack.i.l.bf16.f32 v55;
	v31 =	vld [tilespmem:s19+$0x70];
	[tilespmem:s12+$0x0] =	vst v57  }
0xe7: {  	v32 =	vmovc v39;
	v23 =	vmovc v54;
	v50 =	vunpack.i.u.bf16.f32 v56;
	v51 =	vunpack.i.l.bf16.f32 v56;
	v49 =	vld [tilespmem:s17+$0xFFFFFFC0];
	v52 =	vunpack.i.u.bf16.f32 v40;
	[tilespmem:s12+$0x10] =	vst v42  }
0xe8: {  	v42 =	vmul.f32 v47, v20;
	v47 =	vmul.f32 v53, v21;
	v40 =	vunpack.i.l.bf16.f32 v40;
	v37 =	vmovc v46;
	v39 =	vld [tilespmem:s17+$0xFFFFFFD0];
	s20 =	spop (v2sf);
	[tilespmem:s12+$0x20] =	vst v43  }
0xe9: {  	v46 =	vmul.f32 v51, v24;
	v50 =	vmul.f32 v50, v23;
	v43 =	vld [tilespmem:s17+$0xFFFFFFE0];
	v51 =	vunpack.i.u.bf16.f32 v41;
	[tilespmem:s12+$0x30] =	vst v48  }
0xea: {  	v40 =	vmul.f32 v40, v19;
	v52 =	vmul.f32 v52, v27;
	v41 =	vunpack.i.l.bf16.f32 v41;
	v48 =	vld [tilespmem:s17+$0xFFFFFFF0];
	v53, _, _ =	vpop (xrf2)  }
0xeb: {  	v41 =	vmul.f32 v41, v30;
	v54 =	vld [tilespmem:s19+$0xFFFFFF80];
	v51 =	vmul.f32 v51, v31;
	(v2sf) =	vpush v53, $0xF  }
0xec: {  	v42 =	vadd.f32 v42, v47;
	v46 =	vadd.f32 v46, v50;
	v53 =	vld [tilespmem:s19+$0xFFFFFF90];
	v55 =	vunpack.i.u.bf16.f32 v49  }
0xed: {  	v47 =	vadd.f32 v40, v52;
	v56 =	vunpack.i.l.bf16.f32 v49;
	v50 =	vld [tilespmem:s19+$0xFFFFFFA0];
	v51 =	vadd.f32 v41, v51;
	s21 =	spop (v2sf)  }
0xee: {  	v52 =	vunpack.i.u.bf16.f32 v39;
	v39 =	vunpack.i.l.bf16.f32 v39;
	v40 =	vld [tilespmem:s19+$0xFFFFFFB0];
	v57 =	vunpack.i.u.bf16.f32 v43;
	s22 =	spop (v2sf);
	v49 =	vpop (erf)  }
0xef: {  	v46 =	vadd.f32 v46, v42;
	v58 =	vunpack.i.l.bf16.f32 v43;
	v41 =	vld [tilespmem:s19+$0xFFFFFFC0];
	v47 =	vadd.f32 v51, v47;
	s21 =	smul.f32 s22, s21  }
0xf0: {  	v51 =	vunpack.i.u.bf16.f32 v48;
	v48 =	vunpack.i.l.bf16.f32 v48;
	v42 =	vld [tilespmem:s19+$0xFFFFFFD0];
	v55 =	vmul.f32 v55, v54  }
0xf1: {  	v43 =	vld [tilespmem:s19+$0xFFFFFFE0];
	v59 =	vmul.f32 v39, v53;
	v46 =	vadd.f32 v47, v46;
	v39 =	vmov s21  }
0xf2: {  	v60 =	vmul.f32 v49, v26;
	v26 =	vmovc v36;
	v47 =	vmul.f32 v52, v50;
	v52 =	vmax.f32 v39, $-2.000000000e+00;
	v36 =	vld [tilespmem:s19+$0xFFFFFF70]  }
0xf3: {  	v39 =	vld [tilespmem:s19+$0xFFFFFFF0];
	v58 =	vmul.f32 v58, v40;
	(xrf2) =	vadd.scan.msk.f32 $0xffff, v46;
	v46 =	vmin.f32 v52, $2.000000000e+00;
	v52 =	vmul.f32 v49, v13;
	v13 =	vmovc v34  }
0xf4: {  	v34 =	vmovc v54;
	v57 =	vmul.f32 v57, v41;
	v47 =	vadd.f32 v59, v47;
	v46 =	vmul.f32 $1.442695020e+00, v46;
	[tilespmem:s12+$0xFFFFFF70] =	vst v60  }
.Ltmp6:
0xf5: {  	v54 =	vmul.f32 v48, v42;
	[tilespmem:s12+$0xFFFFFF80] =	vst v52;
	v52 =	vmul.f32 v49, v14;
	v14 =	vmovc v33;
	v33 =	vmov v53;
	(pc) =	sbr.rel @p1 .LBB2_6-.Ltmp6, $4  }
0xf6: {  	v51 =	vmul.f32 v51, v43;
	v48 =	vadd.f32 v58, v57;
	v53 =	vbroadcast v46, $0x0  }
0xf7: {  	v57 =	vmul.f32 v49, v15;
	v15 =	vmovc v35;
	v35 =	vmov v50;
	v56 =	vmul.f32 v56, v36;
	[tilespmem:s12+$0xFFFFFF90] =	vst v52  }
0xf8: {  	v51 =	vadd.f32 v54, v51;
	v46 =	vld [tilespmem:s19+$0x80];
	(v2sf) =	vpush v39, $0x1;
	(erf) = vpow2.f32 v53  }
0xf9: {  	v45 =	vmul.f32 v49, v45;
	v50 =	vmul.f32 v49, v44;
	s19 =	sadd.s32 $0x120, s19;
	v52 =	vadd.f32 v56, v55;
	[tilespmem:s12+$0xFFFFFFA0] =	vst v57  }
0xfa: {  	_ = 	snop  }
0xfb: {  	v44 =	vadd.f32 v51, v48;
	v47 =	vadd.f32 v47, v52;
	_ =	sdelay $0x1  }
0xfc: {  	v44 =	vadd.f32 v44, v47;
	_ =	sdelay $0x1  }
0xfd: {  	(xrf2) =	vadd.scan.msk.f32 $0xffff, v44;
	_ =	sdelay $0x4  }
0xfe: {  	v60, _, _ =	vpop (xrf2);
	(v2sf) =	vpush v46, $0x1  }
0xff: {  	(v2sf) =	vpush v60, $0xF;
	_ =	sdelay $0x2  }
0x100: {  	s17 =	spop (v2sf)  }
0x101: {  	s17 =	smul.f32 s17, s20;
	v61, _, _ =	vpop (xrf2)  }
0x102: {  	(v2sf) =	vpush v61, $0xF  }
0x103: {  	v62 =	vmov s17  }
0x104: {  	v63 =	vmax.f32 v62, $-2.000000000e+00  }
0x105: {  	v44 =	vmin.f32 v63, $2.000000000e+00  }
0x106: {  	v44 =	vmul.f32 $1.442695020e+00, v44  }
0x107: {  	v22 =	vmul.f32 v49, v22;
	[tilespmem:s12+$0xFFFFFFB0] =	vst v50  }
0x108: {  	v25 =	vmul.f32 v49, v25;
	[tilespmem:s12+$0xFFFFFFC0] =	vst v45;
	v44 =	vbroadcast v44, $0x0  }
0x109: {  	v28 =	vmul.f32 v49, v28;
	[tilespmem:s12+$0xFFFFFFD0] =	vst v22  }
0x10a: {  	v1 =	vmul.f32 v38, v1;
	[tilespmem:s12+$0xFFFFFFE0] =	vst v25;
	(erf) = vpow2.f32 v44;
	s21 =	spop (v2sf)  }
0x10b: {  	v3 =	vmul.f32 v38, v3;
	[tilespmem:s12+$0xFFFFFFF0] =	vst v28;
	s18 =	spop (v2sf)  }
0x10c: {  	v5 =	vmul.f32 v38, v5;
	[tilespmem:s12+$0x40] =	vst v1;
	s19 =	spop (v2sf)  }
0x10d: {  	v1 =	vmul.f32 v38, v2;
	[tilespmem:s12+$0x50] =	vst v3;
	v2 =	vpop (erf);
	s18 =	smul.f32 s19, s18  }
0x10e: {  	[tilespmem:s12+$0x60] =	vst v5;
	v3 =	vmul.f32 v2, v37  }
0x10f: {  	[tilespmem:s12+$0x70] =	vst v1;
	v45 =	vmul.f32 v2, v10;
	v1 =	vmov s18  }
0x110: {  	v47 =	vmul.f32 v2, v12;
	[tilespmem:s13+$0x80] =	vst v3;
	v1 =	vmax.f32 v1, $-2.000000000e+00  }
0x111: {  	v48 =	vmul.f32 v2, v9;
	[tilespmem:s13+$0x0] =	vst v45;
	v1 =	vmin.f32 v1, $2.000000000e+00;
	s22 =	spop (v2sf)  }
0x112: {  	v3 =	vmul.f32 v2, v11;
	[tilespmem:s13+$0x10] =	vst v47;
	v1 =	vmul.f32 $1.442695020e+00, v1;
	s12 =	smul.f32 s22, s21  }
0x113: {  	v56 =	vmul.f32 v2, v8;
	[tilespmem:s13+$0x30] =	vst v48;
	v49 =	vpop (erf)  }
0x114: {  	[tilespmem:s13+$0x20] =	vst v3;
	v3 =	vmul.f32 v49, v26;
	v1 =	vbroadcast v1, $0x0;
	v51 =	vmov s12  }
0x115: {  	[tilespmem:s13+$0x60] =	vst v56;
	v50 =	vmul.f32 v49, v13;
	v10 =	vmax.f32 v51, $-2.000000000e+00  }
0x116: {  	v52 =	vmul.f32 v49, v15;
	[tilespmem:s13+$0xFFFFFF70] =	vst v3;
	(erf) = vpow2.f32 v1;
	v1 =	vmin.f32 v10, $2.000000000e+00  }
0x117: {  	v53 =	vmul.f32 v49, v16;
	[tilespmem:s13+$0xFFFFFF80] =	vst v50;
	v1 =	vmul.f32 $1.442695020e+00, v1  }
0x118: {  	v3 =	vmul.f32 v49, v14;
	[tilespmem:s13+$0xFFFFFFA0] =	vst v52  }
0x119: {  	v54 =	vmul.f32 v49, v17;
	[tilespmem:s13+$0xFFFFFFC0] =	vst v53;
	v1 =	vbroadcast v1, $0x0  }
0x11a: {  	v55 =	vmul.f32 v49, v32;
	[tilespmem:s13+$0xFFFFFF90] =	vst v3;
	v3 =	vmul.f32 v49, v29  }
0x11b: {  	[tilespmem:s13+$0xFFFFFFD0] =	vst v54;
	(erf) = vpow2.f32 v1;
	v1 =	vmul.f32 v2, v4  }
0x11c: {  	[tilespmem:s13+$0xFFFFFFB0] =	vst v3;
	v3 =	vmul.f32 v49, v18  }
0x11d: {  	[tilespmem:s13+$0xFFFFFFF0] =	vst v55  }
0x11e: {  	[tilespmem:s13+$0xFFFFFFE0] =	vst v3;
	v3 =	vmul.f32 v2, v7  }
0x11f: {  	v2 =	vmul.f32 v2, v6;
	[tilespmem:s13+$0x40] =	vst v1;
	v1 =	vpop (erf)  }
0x120: {  	[tilespmem:s13+$0x50] =	vst v3;
	v3 =	vmul.f32 v1, v46  }
0x121: {  	[tilespmem:s13+$0x70] =	vst v2;
	v57 =	vmul.f32 v1, v20;
	v2 =	vmul.f32 v1, v21  }
0x122: {  	[tilespmem:s15+$0x80] =	vst v3  }
0x123: {  	v58 =	vmul.f32 v1, v23;
	[tilespmem:s15+$0x0] =	vst v57  }
0x124: {  	v3 =	vmul.f32 v1, v24;
	[tilespmem:s15+$0x10] =	vst v2  }
0x125: {  	v63 =	vmul.f32 v1, v19;
	[tilespmem:s15+$0x30] =	vst v58;
	v2 =	vpop (erf)  }
0x126: {  	[tilespmem:s15+$0x20] =	vst v3;
	v3 =	vmul.f32 v2, v36  }
0x127: {  	[tilespmem:s15+$0x40] =	vst v63;
	v59 =	vmul.f32 v2, v34  }
0x128: {  	v60 =	vmul.f32 v2, v35;
	[tilespmem:s15+$0xFFFFFF70] =	vst v3  }
0x129: {  	v3 =	vmul.f32 v2, v33;
	[tilespmem:s15+$0xFFFFFF80] =	vst v59  }
0x12a: {  	v61 =	vmul.f32 v2, v41;
	[tilespmem:s15+$0xFFFFFFA0] =	vst v60  }
0x12b: {  	[tilespmem:s15+$0xFFFFFF90] =	vst v3;
	v3 =	vmul.f32 v2, v40  }
0x12c: {  	v62 =	vmul.f32 v2, v42;
	[tilespmem:s15+$0xFFFFFFC0] =	vst v61  }
0x12d: {  	[tilespmem:s15+$0xFFFFFFB0] =	vst v3;
	v3 =	vmul.f32 v2, v43  }
0x12e: {  	[tilespmem:s15+$0xFFFFFFD0] =	vst v62;
	v2 =	vmul.f32 v2, v39  }
0x12f: {  	[tilespmem:s15+$0xFFFFFFE0] =	vst v3;
	v3 =	vmul.f32 v1, v27  }
0x130: {  	[tilespmem:s15+$0xFFFFFFF0] =	vst v2;
	v2 =	vmul.f32 v1, v30  }
0x131: {  	v1 =	vmul.f32 v1, v31;
	[tilespmem:s15+$0x50] =	vst v3  }
0x132: {  	[tilespmem:s15+$0x60] =	vst v2  }
0x133: {  	[tilespmem:s15+$0x70] =	vst v1  }
0x134: {  	_ =	swait.ge [sflag:s0], $0x50  }
0x135: {  	[sflag:s0] =	ssyncset.done $0x0  }
0x136: {  	s11 =	sadd.s32 @!p0 s11, s14;
	[sflag:s0] =	ssyncadd.s32 $0xFFFFFFB0  }
0x137: {  	[spmem:s3] =	stream.indirect.scatter.add.f32 [tilespmem:s23], [sflag:$0x7], $0x90, s29, s25, $0xb8;
	[tilespmem:$0x1E370] =	vst v63  }
0x138: {  	s11 =	sshrl.u32 @!p0 s11, $0x3;
	_ =	swait.ge [sflag:s24], $0x2D00  }
0x139: {  	s11 =	sadd.s32 @!p0 s6, s11;
	[sflag:s24] =	ssyncset.done $0x0  }
0x13a: {  	s12 =	simm.s32 @!p0 $0x0;
	s13 =	simm.s32 @!p0 $0x140;
	[sflag:s24] =	ssyncadd.s32 $0xFFFFD300  }
0x13b: {  	[tilespmem:s13], [sflag:$0x5] =	stream.linear.gather @!p0 [hbm4b:s11+s12], $0x50, $0x38;
	[tilespmem:$0x1E370] =	vst v63  }
0x13c: {  	p0 =	seq.s32 s10, $0x0  }
.Ltmp7:
0x13d: {  	_ = 	snop;
	(pc) =	sbr.rel @p0 .LBB2_11-.Ltmp7, $1  }
0x13e: {  	_ =	sdelay $0x3  }
.LBB2_8:
0x13f: {  	p0 =	seq.s32 s8, $0x7C  }
0x140: {  	s10 =	simm.s32 @!p0 $0x3  }
0x141: {  	_ =	swait.ge @!p0 [sflag:s10], $0xA0  }
0x142: {  	s11 =	simm.s32 @!p0 $0x0;
	[sflag:s10] =	ssyncset.done @!p0 $0x0  }
0x143: {  	s12 =	simm.s32 @!p0 $0x1E0;
	[sflag:s10] =	ssyncadd.s32 @!p0 $0xFFFFFF60;
	s10 =	simm.s32 @!p0 $0x50  }
0x144: {  	[tilespmem:s12], [sflag:$0x1] =	stream.indirect.gather @!p0 [hbm4b:s5+s10], $0x90, s11, s10, $0xb8;
	[tilespmem:$0x1E370] =	vst v63  }
0x145: {  	s11 =	simm.s32 @!p0 $0x5BE0  }
0x146: {  	[tilespmem:s11], [sflag:$0x1] =	stream.indirect.gather @!p0 [hbm4b:s2+s10], $0x40, s10, s10, $0xb8;
	[tilespmem:$0x1E370] =	vst v63  }
0x147: {  	s10 =	sadd.s32 $0x2, s8;
	p0 =	sgt.u32 s8, $0x7A;
	_ =	swait.ge [sflag:s31], $0x2D00  }
0x148: {  	s10 =	smul.u32 @!p0 $0xA0, s10;
	[sflag:s31] =	ssyncset.done $0x0  }
0x149: {  	[sflag:s31] =	ssyncadd.s32 $0xFFFFD300  }
0x14a: {  	s11 =	sadd.s32 @!p0 s9, s10;
	_ =	swait.ge [sflag:s31], $0x1400  }
0x14b: {  	s12 =	simm.s32 @!p0 $0x0;
	s11 =	sshrl.u32 @!p0 s11, $0x3;
	[sflag:s31] =	ssyncset.done $0x0  }
0x14c: {  	s13 =	simm.s32 @!p0 $0xA0;
	s11 =	sadd.s32 @!p0 s6, s11;
	[sflag:s31] =	ssyncadd.s32 $0xFFFFEC00  }
0x14d: {  	[tilespmem:s13], [sflag:$0x4] =	stream.linear.gather @!p0 [hbm4b:s11+s12], $0xA0, $0x38;
	[tilespmem:$0x1E370] =	vst v63  }
0x14e: {  	s11 =	simm.s32 $0x2F70  }
0x14f: {  	v30 =	vld [tilespmem:s11+$0x0]  }
0x150: {  	v31 =	vld [tilespmem:s11+$0x10]  }
0x151: {  	v33 =	vld [tilespmem:s11+$0x20]  }
0x152: {  	v35 =	vld [tilespmem:s11+$0x30]  }
0x153: {  	s18 =	simm.s32 $0x7020;
	v1 =	vld [tilespmem:s11+$0x40]  }
0x154: {  	v4 =	vld [tilespmem:s18+$0x0]  }
0x155: {  	v6 =	vld [tilespmem:s18+$0x10]  }
0x156: {  	v7 =	vld [tilespmem:s18+$0x20]  }
0x157: {  	v3 =	vld [tilespmem:s11+$0x50]  }
0x158: {  	v8 =	vld [tilespmem:s18+$0x30]  }
0x159: {  	v5 =	vld [tilespmem:s11+$0x60]  }
0x15a: {  	v2 =	vld [tilespmem:s11+$0x70]  }
0x15b: {  	v10 =	vld [tilespmem:s18+$0xFFFFFFC0]  }
0x15c: {  	v13 =	vld [tilespmem:s18+$0xFFFFFFD0];
	v9 =	vunpack.i.u.bf16.f32 v4;
	v4 =	vunpack.i.l.bf16.f32 v4  }
0x15d: {  	v14 =	vld [tilespmem:s18+$0xFFFFFFE0];
	v11 =	vunpack.i.u.bf16.f32 v6;
	v6 =	vunpack.i.l.bf16.f32 v6;
	v12 =	vunpack.i.u.bf16.f32 v7  }
0x15e: {  	v16 =	vld [tilespmem:s18+$0xFFFFFFF0];
	v7 =	vunpack.i.l.bf16.f32 v7;
	v4 =	vmul.f32 v4, v30;
	v9 =	vmul.f32 v9, v31  }
0x15f: {  	v48 =	vld [tilespmem:s11+$0xFFFFFF80];
	v15 =	vunpack.i.u.bf16.f32 v8;
	v6 =	vmul.f32 v6, v33;
	v11 =	vmul.f32 v11, v35  }
0x160: {  	v47 =	vld [tilespmem:s11+$0xFFFFFF90];
	v8 =	vunpack.i.l.bf16.f32 v8;
	v7 =	vmul.f32 v7, v1;
	v12 =	vmul.f32 v12, v3  }
0x161: {  	v46 =	vld [tilespmem:s11+$0xFFFFFFA0];
	v8 =	vmul.f32 v8, v5;
	v15 =	vmul.f32 v15, v2  }
0x162: {  	v44 =	vld [tilespmem:s11+$0xFFFFFFB0];
	v4 =	vadd.f32 v4, v9;
	v6 =	vadd.f32 v6, v11  }
0x163: {  	v25 =	vld [tilespmem:s11+$0xFFFFFFE0];
	v7 =	vadd.f32 v7, v12;
	v8 =	vadd.f32 v8, v15  }
0x164: {  	v45 =	vld [tilespmem:s11+$0xFFFFFFC0]  }
0x165: {  	v39 =	vld [tilespmem:s11+$0xFFFFFF70];
	v4 =	vadd.f32 v6, v4;
	v6 =	vadd.f32 v8, v7  }
0x166: {  	v22 =	vld [tilespmem:s11+$0xFFFFFFD0];
	v9 =	vunpack.i.l.bf16.f32 v13;
	v11 =	vunpack.i.l.bf16.f32 v14;
	v12 =	vunpack.i.u.bf16.f32 v16  }
0x167: {  	v9 =	vmul.f32 v9, v47;
	v11 =	vmul.f32 v11, v44;
	v4 =	vadd.f32 v6, v4  }
0x168: {  	v12 =	vmul.f32 v12, v25;
	v7 =	vunpack.i.u.bf16.f32 v10;
	v8 =	vunpack.i.l.bf16.f32 v10  }
0x169: {  	v10 =	vunpack.i.u.bf16.f32 v14;
	v7 =	vmul.f32 v7, v48;
	v6 =	vunpack.i.u.bf16.f32 v13;
	(xrf2) =	vadd.scan.msk.f32 $0xffff, v4  }
0x16a: {  	v8 =	vmul.f32 v8, v39;
	v6 =	vmul.f32 v6, v46;
	v4 =	vunpack.i.l.bf16.f32 v16  }
0x16b: {  	v10 =	vmul.f32 v10, v45;
	v4 =	vmul.f32 v4, v22  }
0x16c: {  	v28 =	vld [tilespmem:s11+$0xFFFFFFF0];
	v7 =	vadd.f32 v8, v7;
	v6 =	vadd.f32 v9, v6  }
0x16d: {  	s19 =	simm.s32 $0x70A0;
	v34 =	vld [tilespmem:s11+$0x80];
	v9 =	vadd.f32 v11, v10;
	v4 =	vadd.f32 v4, v12  }
0x16e: {  	v19 =	vld [tilespmem:s19+$0xFFFFFFC0]  }
0x16f: {  	v15 =	vld [tilespmem:s19+$0x20];
	v6 =	vadd.f32 v6, v7;
	v4 =	vadd.f32 v4, v9  }
0x170: {  	v14 =	vld [tilespmem:s19+$0x10]  }
0x171: {  	s12 =	simm.s32 $0x3090;
	v13 =	vld [tilespmem:s19+$0x0];
	v6 =	vadd.f32 v4, v6  }
0x172: {  	v8 =	vld [tilespmem:s12+$0x60]  }
0x173: {  	(v2sf) =	vpush v28, $0x1;
	v16 =	vld [tilespmem:s19+$0x30];
	v7, _, _ =	vpop (xrf2);
	(xrf2) =	vadd.scan.msk.f32 $0xffff, v6  }
0x174: {  	(v2sf) =	vpush v34, $0x1;
	v10 =	vld [tilespmem:s12+$0x0]  }
0x175: {  	v11 =	vld [tilespmem:s12+$0x20];
	(v2sf) =	vpush v7, $0xF  }
0x176: {  	v12 =	vld [tilespmem:s12+$0x10]  }
0x177: {  	v9 =	vld [tilespmem:s12+$0x30]  }
0x178: {  	v4 =	vld [tilespmem:s12+$0x40]  }
0x179: {  	v20 =	vunpack.i.u.bf16.f32 v15;
	v6 =	vld [tilespmem:s12+$0x70]  }
0x17a: {  	v18 =	vunpack.i.u.bf16.f32 v14;
	v17 =	vunpack.i.u.bf16.f32 v13;
	v13 =	vunpack.i.l.bf16.f32 v13;
	v7 =	vld [tilespmem:s12+$0x50]  }
0x17b: {  	v21 =	vld [tilespmem:s19+$0xFFFFFFD0];
	v14 =	vunpack.i.l.bf16.f32 v14;
	v23 =	vmul.f32 v13, v10;
	v13 =	vunpack.i.l.bf16.f32 v15  }
0x17c: {  	v24 =	vld [tilespmem:s19+$0xFFFFFFE0];
	v15 =	vmul.f32 v14, v11;
	v14 =	vunpack.i.u.bf16.f32 v16;
	v16 =	vunpack.i.l.bf16.f32 v16  }
0x17d: {  	v27 =	vld [tilespmem:s19+$0xFFFFFFF0];
	v16 =	vmul.f32 v16, v8;
	v18 =	vmul.f32 v18, v9;
	v29, _, _ =	vpop (xrf2)  }
0x17e: {  	v17 =	vmul.f32 v17, v12;
	v26 =	vmul.f32 v13, v4;
	v13 =	vld [tilespmem:s12+$0xFFFFFF80];
	(v2sf) =	vpush v29, $0xF  }
0x17f: {  	v18 =	vadd.f32 v15, v18;
	v15 =	vld [tilespmem:s12+$0xFFFFFFA0];
	v32 =	vmul.f32 v14, v6;
	v20 =	vmul.f32 v20, v7  }
0x180: {  	v17 =	vadd.f32 v23, v17;
	v14 =	vld [tilespmem:s12+$0xFFFFFF90]  }
0x181: {  	v23 =	vadd.f32 v16, v32;
	v16 =	vld [tilespmem:s12+$0xFFFFFFC0];
	v20 =	vadd.f32 v26, v20  }
0x182: {  	s15 =	spop (v2sf);
	v26 =	vadd.f32 v18, v17;
	v17 =	vld [tilespmem:s12+$0xFFFFFFD0]  }
0x183: {  	v54 =	vunpack.i.u.bf16.f32 v21;
	s20 =	spop (v2sf);
	v18 =	vld [tilespmem:s12+$0xFFFFFFE0];
	v20 =	vadd.f32 v23, v20  }
0x184: {  	v21 =	vunpack.i.l.bf16.f32 v21;
	v36 =	vunpack.i.u.bf16.f32 v24;
	v24 =	vunpack.i.l.bf16.f32 v24;
	v29 =	vld [tilespmem:s12+$0xFFFFFFB0];
	s17 =	spop (v2sf)  }
0x185: {  	v38 =	vunpack.i.u.bf16.f32 v27;
	v27 =	vunpack.i.l.bf16.f32 v27;
	v20 =	vadd.f32 v20, v26;
	v26 =	vld [tilespmem:s12+$0xFFFFFF70];
	s13 =	smul.f32 s17, s20  }
0x186: {  	v23 =	vunpack.i.u.bf16.f32 v19;
	v21 =	vmul.f32 v21, v14;
	v19 =	vunpack.i.l.bf16.f32 v19  }
0x187: {  	v23 =	vmul.f32 v23, v13;
	v36 =	vmul.f32 v36, v16;
	(xrf2) =	vadd.scan.msk.f32 $0xffff, v20;
	v37 =	vmov s13  }
0x188: {  	v27 =	vmul.f32 v27, v17;
	v20 =	vmul.f32 v54, v15;
	v37 =	vmax.f32 v37, $-2.000000000e+00  }
0x189: {  	v38 =	vmul.f32 v38, v18;
	v24 =	vmul.f32 v24, v29;
	v55 =	vmin.f32 v37, $2.000000000e+00  }
0x18a: {  	v32 =	vld [tilespmem:s12+$0xFFFFFFF0];
	v41 =	vadd.f32 v21, v20;
	v19 =	vmul.f32 v19, v26;
	s13 =	simm.s32 $0x31B0;
	v37 =	vmul.f32 $1.442695020e+00, v55  }
0x18b: {  	v21 =	vadd.f32 v24, v36;
	v24 =	vadd.f32 v27, v38;
	v20 =	vld [tilespmem:s13+$0x0]  }
0x18c: {  	v19 =	vadd.f32 v19, v23;
	v40 =	vbroadcast v37, $0x0;
	v37 =	vld [tilespmem:s12+$0x80]  }
0x18d: {  	v27 =	vadd.f32 v24, v21;
	v21 =	vld [tilespmem:s13+$0x10];
	s21 =	spop (v2sf)  }
0x18e: {  	v24 =	vld [tilespmem:s13+$0x20];
	v19 =	vadd.f32 v41, v19;
	(erf) = vpow2.f32 v40;
	s15 =	smul.f32 s21, s15  }
0x18f: {  	v23 =	vld [tilespmem:s13+$0x30]  }
0x190: {  	(v2sf) =	vpush v32, $0x1;
	v27 =	vadd.f32 v27, v19;
	v19 =	vld [tilespmem:s13+$0x40];
	v57 =	vmov s15;
	s15 =	simm.s32 $0x7120  }
0x191: {  	v56, _, _ =	vpop (xrf2);
	(v2sf) =	vpush v37, $0x1;
	v59 =	vld [tilespmem:s15+$0x0]  }
0x192: {  	(v2sf) =	vpush v56, $0xF;
	v61 =	vld [tilespmem:s15+$0x10]  }
0x193: {  	(xrf2) =	vadd.scan.msk.f32 $0xffff, v27;
	v58 =	vmax.f32 v57, $-2.000000000e+00;
	v42 =	vld [tilespmem:s15+$0x20]  }
0x194: {  	v63 =	vld [tilespmem:s15+$0x30];
	v27 =	vmin.f32 v58, $2.000000000e+00  }
0x195: {  	v51 =	vld [tilespmem:s15+$0xFFFFFFC0];
	v62 =	vmul.f32 $1.442695020e+00, v27  }
0x196: {  	v57 =	vld [tilespmem:s15+$0xFFFFFFF0]  }
0x197: {  	v27 =	vld [tilespmem:s13+$0x50];
	v41 =	vbroadcast v62, $0x0;
	v38 =	vpop (erf);
	v60 =	vunpack.i.u.bf16.f32 v59;
	v40 =	vunpack.i.l.bf16.f32 v59  }
0x198: {  	v52 =	vunpack.i.u.bf16.f32 v61;
	v36 =	vunpack.i.l.bf16.f32 v61;
	v49 =	vmul.f32 v38, v30;
	v30 =	vld [tilespmem:s13+$0x60]  }
0x199: {  	v53 =	vunpack.i.u.bf16.f32 v42;
	v42 =	vunpack.i.l.bf16.f32 v42;
	v50 =	vmul.f32 v38, v31;
	v31 =	vld [tilespmem:s13+$0x70]  }
0x19a: {  	v54 =	vld [tilespmem:s15+$0xFFFFFFD0];
	v56 =	vunpack.i.u.bf16.f32 v63;
	v43 =	vmul.f32 v38, v34;
	(erf) = vpow2.f32 v41  }
0x19b: {  	v55 =	vld [tilespmem:s15+$0xFFFFFFE0];
	v58 =	vunpack.i.l.bf16.f32 v63;
	v40 =	vmul.f32 v40, v20;
	v41 =	vmul.f32 v60, v21  }
0x19c: {  	v62 =	vunpack.i.l.bf16.f32 v57;
	v36 =	vmul.f32 v36, v24;
	v52 =	vmul.f32 v52, v23;
	v34 =	vld [tilespmem:s13+$0xFFFFFF80]  }
0x19d: {  	v59, _, _ =	vpop (xrf2);
	v42 =	vmul.f32 v42, v19;
	v53 =	vmul.f32 v53, v27;
	v60 =	vadd.f32 v40, v41;
	v40 =	vld [tilespmem:s13+$0xFFFFFFB0]  }
0x19e: {  	(v2sf) =	vpush v59, $0xF;
	v41 =	vld [tilespmem:s13+$0xFFFFFFC0];
	v58 =	vmul.f32 v58, v30;
	v56 =	vmul.f32 v56, v31  }
0x19f: {  	s19 =	spop (v2sf);
	v57 =	vunpack.i.u.bf16.f32 v57;
	v59 =	vmul.f32 v38, v33;
	v36 =	vadd.f32 v36, v52;
	[tilespmem:s11+$0x80] =	vst v43;
	v43 =	vld [tilespmem:s13+$0xFFFFFFE0]  }
0x1a0: {  	v52 =	vmul.f32 v38, v35;
	v35 =	vld [tilespmem:s13+$0xFFFFFFA0];
	v42 =	vadd.f32 v42, v53;
	v61 =	vadd.f32 v58, v56;
	s22 =	spop (v2sf)  }
0x1a1: {  	v36 =	vadd.f32 v36, v60;
	v60 =	vunpack.i.u.bf16.f32 v55;
	v55 =	vunpack.i.l.bf16.f32 v55;
	s18 =	spop (v2sf)  }
0x1a2: {  	v33 =	vld [tilespmem:s13+$0xFFFFFF90];
	v56 =	vunpack.i.u.bf16.f32 v51;
	v58 =	vunpack.i.u.bf16.f32 v54;
	v53 =	vadd.f32 v61, v42;
	s17 =	smul.f32 s18, s22  }
0x1a3: {  	v54 =	vunpack.i.l.bf16.f32 v54;
	v55 =	vmul.f32 v55, v40;
	v63 =	vmul.f32 v60, v41  }
0x1a4: {  	[tilespmem:s11+$0x0] =	vst v49;
	v60 =	vmul.f32 v57, v43;
	v42 =	vld [tilespmem:s13+$0xFFFFFFD0];
	v53 =	vadd.f32 v53, v36;
	v61 =	vmov s17  }
0x1a5: {  	[tilespmem:s11+$0x10] =	vst v50;
	v56 =	vmul.f32 v56, v34;
	v50 =	vmul.f32 v58, v35;
	v49 =	vpop (erf);
	v36 =	vld [tilespmem:s13+$0xFFFFFF70];
	v58 =	vmax.f32 v61, $-2.000000000e+00  }
0x1a6: {  	v48 =	vmul.f32 v49, v48;
	v61 =	vmul.f32 v49, v39;
	v39 =	vld [tilespmem:s13+$0xFFFFFFF0];
	(xrf2) =	vadd.scan.msk.f32 $0xffff, v53;
	v58 =	vmin.f32 v58, $2.000000000e+00  }
0x1a7: {  	[tilespmem:s11+$0x30] =	vst v52;
	v54 =	vmul.f32 v54, v33;
	v58 =	vmul.f32 $1.442695020e+00, v58  }
0x1a8: {  	v45 =	vmul.f32 v49, v45;
	[tilespmem:s11+$0xFFFFFF80] =	vst v48;
	v48 =	vadd.f32 v55, v63;
	v63 =	vmul.f32 v49, v46  }
0x1a9: {  	v51 =	vunpack.i.l.bf16.f32 v51;
	v52 =	vmul.f32 v62, v42;
	[tilespmem:s11+$0xFFFFFF70] =	vst v61;
	v61 =	vbroadcast v58, $0x0  }
0x1aa: {  	[tilespmem:s11+$0x20] =	vst v59;
	v53 =	vmul.f32 v49, v47;
	v62 =	vmul.f32 v51, v36  }
0x1ab: {  	v46 =	vld [tilespmem:s13+$0x80];
	[tilespmem:s11+$0xFFFFFFA0] =	vst v63;
	v51 =	vadd.f32 v52, v60;
	(v2sf) =	vpush v39, $0x1;
	(erf) = vpow2.f32 v61  }
0x1ac: {  	s18 =	simm.s32 $0x32D0;
	s17 =	simm.s32 $0x4;
	v47 =	vadd.f32 v54, v50;
	v50 =	vmul.f32 v49, v44;
	[tilespmem:s11+$0xFFFFFF90] =	vst v53;
	v52 =	vadd.f32 v62, v56  }
.LBB2_9:
0x1ad: {  	v53 =	vld [tilespmem:s18+$0x0];
	v48 =	vadd.f32 v51, v48;
	s20 =	spop (v2sf);
	v22 =	vmul.f32 v49, v22;
	v25 =	vmul.f32 v49, v25;
	v44 =	vmovc v29  }
0x1ae: {  	v28 =	vmul.f32 v49, v28;
	v51 =	vld [tilespmem:s18+$0x10];
	v29 =	vadd.f32 v47, v52;
	s19 =	smul.f32 s20, s19;
	[tilespmem:s11+$0xFFFFFFB0] =	vst v50;
	v47 =	vmul.f32 v38, v1  }
0x1af: {  	v50 =	vmul.f32 v38, v3;
	v52 =	vmul.f32 v38, v5;
	v1 =	vmovc v4;
	v4 =	vmov v19;
	v49 =	vld [tilespmem:s18+$0x20];
	[tilespmem:s11+$0xFFFFFFC0] =	vst v45  }
0x1b0: {  	v54 =	vld [tilespmem:s18+$0x30];
	v57 =	vadd.f32 v48, v29;
	(v2sf) =	vpush v46, $0x1;
	v3, _, _ =	vpop (xrf2);
	v29 =	vmov s19;
	[tilespmem:s11+$0xFFFFFFD0] =	vst v22  }
0x1b1: {  	s15 =	sadd.s32 $0x80, s15;
	v48 =	vmul.f32 v38, v2;
	v19 =	vld [tilespmem:s18+$0x40];
	(v2sf) =	vpush v3, $0xF;
	v22 =	vmax.f32 v29, $-2.000000000e+00;
	[tilespmem:s11+$0xFFFFFFE0] =	vst v25;
	v3 =	vmovc v7;
	v7 =	vmovc v27  }
0x1b2: {  	v5 =	vmovc v8;
	v8 =	vmov v30;
	v55 =	vld [tilespmem:s15+$0x0];
	(xrf2) =	vadd.scan.msk.f32 $0xffff, v57;
	v25 =	vmin.f32 v22, $2.000000000e+00;
	[tilespmem:s11+$0xFFFFFFF0] =	vst v28  }
0x1b3: {  	v45 =	vmovc v16;
	v2 =	vmovc v6;
	v6 =	vmov v31;
	v56 =	vld [tilespmem:s15+$0x10];
	v30 =	vmul.f32 $1.442695020e+00, v25;
	[tilespmem:s11+$0x40] =	vst v47;
	v29 =	vmov v40  }
0x1b4: {  	v16 =	vmov v41;
	v40 =	vld [tilespmem:s15+$0x20];
	v38 =	vpop (erf);
	[tilespmem:s11+$0x50] =	vst v50;
	v22 =	vmov v17;
	v17 =	vmov v42  }
0x1b5: {  	v28 =	vmovc v32;
	v27 =	vld [tilespmem:s18+$0x50];
	v31 =	vbroadcast v30, $0x0;
	v37 =	vmul.f32 v38, v37;
	[tilespmem:s11+$0x60] =	vst v52;
	v25 =	vmovc v18;
	v18 =	vmov v43  }
0x1b6: {  	v57 =	vmul.f32 v38, v10;
	v42 =	vmul.f32 v38, v12;
	v10 =	vmovc v20;
	v20 =	vmov v53;
	v41 =	vld [tilespmem:s15+$0x30];
	[tilespmem:s11+$0x70] =	vst v48;
	s11 =	smov.u32 s12;
	s12 =	smov.u32 s13;
	s13 =	smov.u32 s18  }
0x1b7: {  	s17 =	sadd.s32 $0x2, s17;
	v43 =	vmul.f32 v38, v11;
	v12 =	vmovc v21;
	v21 =	vmovc v51;
	v11 =	vmov v24;
	v30 =	vld [tilespmem:s18+$0x60];
	[tilespmem:s11+$0x80] =	vst v37;
	(erf) = vpow2.f32 v31  }
0x1b8: {  	p1 =	slt.u32 s17, $0x4E;
	v24 =	vmovc v49;
	v48 =	vmul.f32 v38, v9;
	v9 =	vmovc v23;
	v53 =	vunpack.i.u.bf16.f32 v55;
	v47 =	vunpack.i.l.bf16.f32 v55;
	v31 =	vld [tilespmem:s18+$0x70];
	[tilespmem:s11+$0x0] =	vst v57  }
0x1b9: {  	v32 =	vmovc v39;
	v23 =	vmovc v54;
	v50 =	vunpack.i.u.bf16.f32 v56;
	v51 =	vunpack.i.l.bf16.f32 v56;
	v49 =	vld [tilespmem:s15+$0xFFFFFFC0];
	v52 =	vunpack.i.u.bf16.f32 v40;
	[tilespmem:s11+$0x10] =	vst v42  }
0x1ba: {  	v42 =	vmul.f32 v47, v20;
	v47 =	vmul.f32 v53, v21;
	v40 =	vunpack.i.l.bf16.f32 v40;
	v37 =	vmovc v46;
	v39 =	vld [tilespmem:s15+$0xFFFFFFD0];
	s19 =	spop (v2sf);
	[tilespmem:s11+$0x20] =	vst v43  }
0x1bb: {  	v46 =	vmul.f32 v51, v24;
	v50 =	vmul.f32 v50, v23;
	v43 =	vld [tilespmem:s15+$0xFFFFFFE0];
	v51 =	vunpack.i.u.bf16.f32 v41;
	[tilespmem:s11+$0x30] =	vst v48  }
0x1bc: {  	v40 =	vmul.f32 v40, v19;
	v52 =	vmul.f32 v52, v27;
	v41 =	vunpack.i.l.bf16.f32 v41;
	v48 =	vld [tilespmem:s15+$0xFFFFFFF0];
	v53, _, _ =	vpop (xrf2)  }
0x1bd: {  	v41 =	vmul.f32 v41, v30;
	v54 =	vld [tilespmem:s18+$0xFFFFFF80];
	v51 =	vmul.f32 v51, v31;
	(v2sf) =	vpush v53, $0xF  }
0x1be: {  	v42 =	vadd.f32 v42, v47;
	v46 =	vadd.f32 v46, v50;
	v53 =	vld [tilespmem:s18+$0xFFFFFF90];
	v55 =	vunpack.i.u.bf16.f32 v49  }
0x1bf: {  	v47 =	vadd.f32 v40, v52;
	v56 =	vunpack.i.l.bf16.f32 v49;
	v50 =	vld [tilespmem:s18+$0xFFFFFFA0];
	v51 =	vadd.f32 v41, v51;
	s20 =	spop (v2sf)  }
0x1c0: {  	v52 =	vunpack.i.u.bf16.f32 v39;
	v39 =	vunpack.i.l.bf16.f32 v39;
	v40 =	vld [tilespmem:s18+$0xFFFFFFB0];
	v57 =	vunpack.i.u.bf16.f32 v43;
	s21 =	spop (v2sf);
	v49 =	vpop (erf)  }
0x1c1: {  	v46 =	vadd.f32 v46, v42;
	v58 =	vunpack.i.l.bf16.f32 v43;
	v41 =	vld [tilespmem:s18+$0xFFFFFFC0];
	v47 =	vadd.f32 v51, v47;
	s20 =	smul.f32 s21, s20  }
0x1c2: {  	v51 =	vunpack.i.u.bf16.f32 v48;
	v48 =	vunpack.i.l.bf16.f32 v48;
	v42 =	vld [tilespmem:s18+$0xFFFFFFD0];
	v55 =	vmul.f32 v55, v54  }
0x1c3: {  	v43 =	vld [tilespmem:s18+$0xFFFFFFE0];
	v59 =	vmul.f32 v39, v53;
	v46 =	vadd.f32 v47, v46;
	v39 =	vmov s20  }
0x1c4: {  	v60 =	vmul.f32 v49, v26;
	v26 =	vmovc v36;
	v47 =	vmul.f32 v52, v50;
	v52 =	vmax.f32 v39, $-2.000000000e+00;
	v36 =	vld [tilespmem:s18+$0xFFFFFF70]  }
0x1c5: {  	v39 =	vld [tilespmem:s18+$0xFFFFFFF0];
	v58 =	vmul.f32 v58, v40;
	(xrf2) =	vadd.scan.msk.f32 $0xffff, v46;
	v46 =	vmin.f32 v52, $2.000000000e+00;
	v52 =	vmul.f32 v49, v13;
	v13 =	vmovc v34  }
0x1c6: {  	v34 =	vmovc v54;
	v57 =	vmul.f32 v57, v41;
	v47 =	vadd.f32 v59, v47;
	v46 =	vmul.f32 $1.442695020e+00, v46;
	[tilespmem:s11+$0xFFFFFF70] =	vst v60  }
.Ltmp8:
0x1c7: {  	v54 =	vmul.f32 v48, v42;
	[tilespmem:s11+$0xFFFFFF80] =	vst v52;
	v52 =	vmul.f32 v49, v14;
	v14 =	vmovc v33;
	v33 =	vmov v53;
	(pc) =	sbr.rel @p1 .LBB2_9-.Ltmp8, $4  }
0x1c8: {  	v51 =	vmul.f32 v51, v43;
	v48 =	vadd.f32 v58, v57;
	v53 =	vbroadcast v46, $0x0  }
0x1c9: {  	v57 =	vmul.f32 v49, v15;
	v15 =	vmovc v35;
	v35 =	vmov v50;
	v56 =	vmul.f32 v56, v36;
	[tilespmem:s11+$0xFFFFFF90] =	vst v52  }
0x1ca: {  	v51 =	vadd.f32 v54, v51;
	v46 =	vld [tilespmem:s18+$0x80];
	(v2sf) =	vpush v39, $0x1;
	(erf) = vpow2.f32 v53  }
0x1cb: {  	v45 =	vmul.f32 v49, v45;
	v50 =	vmul.f32 v49, v44;
	s18 =	sadd.s32 $0x120, s18;
	v52 =	vadd.f32 v56, v55;
	[tilespmem:s11+$0xFFFFFFA0] =	vst v57  }
0x1cc: {  	_ = 	snop  }
0x1cd: {  	v44 =	vadd.f32 v51, v48;
	v47 =	vadd.f32 v47, v52;
	_ =	sdelay $0x1  }
0x1ce: {  	v44 =	vadd.f32 v44, v47;
	_ =	sdelay $0x1  }
0x1cf: {  	(xrf2) =	vadd.scan.msk.f32 $0xffff, v44;
	_ =	sdelay $0x4  }
0x1d0: {  	v60, _, _ =	vpop (xrf2);
	(v2sf) =	vpush v46, $0x1  }
0x1d1: {  	(v2sf) =	vpush v60, $0xF;
	_ =	sdelay $0x2  }
0x1d2: {  	s15 =	spop (v2sf)  }
0x1d3: {  	s15 =	smul.f32 s15, s19;
	v61, _, _ =	vpop (xrf2)  }
0x1d4: {  	(v2sf) =	vpush v61, $0xF  }
0x1d5: {  	v62 =	vmov s15  }
0x1d6: {  	v63 =	vmax.f32 v62, $-2.000000000e+00  }
0x1d7: {  	v44 =	vmin.f32 v63, $2.000000000e+00  }
0x1d8: {  	v44 =	vmul.f32 $1.442695020e+00, v44  }
0x1d9: {  	v22 =	vmul.f32 v49, v22;
	[tilespmem:s11+$0xFFFFFFB0] =	vst v50  }
0x1da: {  	v25 =	vmul.f32 v49, v25;
	[tilespmem:s11+$0xFFFFFFC0] =	vst v45;
	v44 =	vbroadcast v44, $0x0  }
0x1db: {  	v28 =	vmul.f32 v49, v28;
	[tilespmem:s11+$0xFFFFFFD0] =	vst v22  }
0x1dc: {  	v1 =	vmul.f32 v38, v1;
	[tilespmem:s11+$0xFFFFFFE0] =	vst v25;
	(erf) = vpow2.f32 v44;
	s21 =	spop (v2sf)  }
0x1dd: {  	v3 =	vmul.f32 v38, v3;
	[tilespmem:s11+$0xFFFFFFF0] =	vst v28;
	s17 =	spop (v2sf)  }
0x1de: {  	v5 =	vmul.f32 v38, v5;
	[tilespmem:s11+$0x40] =	vst v1;
	s18 =	spop (v2sf)  }
0x1df: {  	v1 =	vmul.f32 v38, v2;
	[tilespmem:s11+$0x50] =	vst v3;
	v2 =	vpop (erf);
	s17 =	smul.f32 s18, s17  }
0x1e0: {  	[tilespmem:s11+$0x60] =	vst v5;
	v3 =	vmul.f32 v2, v37  }
0x1e1: {  	[tilespmem:s11+$0x70] =	vst v1;
	v45 =	vmul.f32 v2, v10;
	v1 =	vmov s17  }
0x1e2: {  	v47 =	vmul.f32 v2, v12;
	[tilespmem:s12+$0x80] =	vst v3;
	v1 =	vmax.f32 v1, $-2.000000000e+00  }
0x1e3: {  	v48 =	vmul.f32 v2, v9;
	[tilespmem:s12+$0x0] =	vst v45;
	v1 =	vmin.f32 v1, $2.000000000e+00;
	s22 =	spop (v2sf)  }
0x1e4: {  	v3 =	vmul.f32 v2, v11;
	[tilespmem:s12+$0x10] =	vst v47;
	v1 =	vmul.f32 $1.442695020e+00, v1;
	s11 =	smul.f32 s22, s21  }
0x1e5: {  	v56 =	vmul.f32 v2, v8;
	[tilespmem:s12+$0x30] =	vst v48;
	v49 =	vpop (erf)  }
0x1e6: {  	[tilespmem:s12+$0x20] =	vst v3;
	v3 =	vmul.f32 v49, v26;
	v1 =	vbroadcast v1, $0x0;
	v51 =	vmov s11  }
0x1e7: {  	[tilespmem:s12+$0x60] =	vst v56;
	v50 =	vmul.f32 v49, v13;
	v10 =	vmax.f32 v51, $-2.000000000e+00  }
0x1e8: {  	v52 =	vmul.f32 v49, v15;
	[tilespmem:s12+$0xFFFFFF70] =	vst v3;
	(erf) = vpow2.f32 v1;
	v1 =	vmin.f32 v10, $2.000000000e+00  }
0x1e9: {  	v53 =	vmul.f32 v49, v16;
	[tilespmem:s12+$0xFFFFFF80] =	vst v50;
	v1 =	vmul.f32 $1.442695020e+00, v1  }
0x1ea: {  	v3 =	vmul.f32 v49, v14;
	[tilespmem:s12+$0xFFFFFFA0] =	vst v52  }
0x1eb: {  	v54 =	vmul.f32 v49, v17;
	[tilespmem:s12+$0xFFFFFFC0] =	vst v53;
	v1 =	vbroadcast v1, $0x0  }
0x1ec: {  	v55 =	vmul.f32 v49, v32;
	[tilespmem:s12+$0xFFFFFF90] =	vst v3;
	v3 =	vmul.f32 v49, v29  }
0x1ed: {  	[tilespmem:s12+$0xFFFFFFD0] =	vst v54;
	(erf) = vpow2.f32 v1;
	v1 =	vmul.f32 v2, v4  }
0x1ee: {  	[tilespmem:s12+$0xFFFFFFB0] =	vst v3;
	v3 =	vmul.f32 v49, v18  }
0x1ef: {  	[tilespmem:s12+$0xFFFFFFF0] =	vst v55  }
0x1f0: {  	[tilespmem:s12+$0xFFFFFFE0] =	vst v3;
	v3 =	vmul.f32 v2, v7  }
0x1f1: {  	v2 =	vmul.f32 v2, v6;
	[tilespmem:s12+$0x40] =	vst v1;
	v1 =	vpop (erf)  }
0x1f2: {  	[tilespmem:s12+$0x50] =	vst v3;
	v3 =	vmul.f32 v1, v46  }
0x1f3: {  	[tilespmem:s12+$0x70] =	vst v2;
	v57 =	vmul.f32 v1, v20;
	v2 =	vmul.f32 v1, v21  }
0x1f4: {  	[tilespmem:s13+$0x80] =	vst v3  }
0x1f5: {  	v58 =	vmul.f32 v1, v23;
	[tilespmem:s13+$0x0] =	vst v57  }
0x1f6: {  	v3 =	vmul.f32 v1, v24;
	[tilespmem:s13+$0x10] =	vst v2  }
0x1f7: {  	v63 =	vmul.f32 v1, v19;
	[tilespmem:s13+$0x30] =	vst v58;
	v2 =	vpop (erf)  }
0x1f8: {  	[tilespmem:s13+$0x20] =	vst v3;
	v3 =	vmul.f32 v2, v36  }
0x1f9: {  	[tilespmem:s13+$0x40] =	vst v63;
	v59 =	vmul.f32 v2, v34  }
0x1fa: {  	v60 =	vmul.f32 v2, v35;
	[tilespmem:s13+$0xFFFFFF70] =	vst v3  }
0x1fb: {  	v3 =	vmul.f32 v2, v33;
	[tilespmem:s13+$0xFFFFFF80] =	vst v59  }
0x1fc: {  	v61 =	vmul.f32 v2, v41;
	[tilespmem:s13+$0xFFFFFFA0] =	vst v60  }
0x1fd: {  	[tilespmem:s13+$0xFFFFFF90] =	vst v3;
	v3 =	vmul.f32 v2, v40  }
0x1fe: {  	v62 =	vmul.f32 v2, v42;
	[tilespmem:s13+$0xFFFFFFC0] =	vst v61  }
0x1ff: {  	[tilespmem:s13+$0xFFFFFFB0] =	vst v3;
	v3 =	vmul.f32 v2, v43  }
0x200: {  	[tilespmem:s13+$0xFFFFFFD0] =	vst v62;
	v2 =	vmul.f32 v2, v39  }
0x201: {  	[tilespmem:s13+$0xFFFFFFE0] =	vst v3;
	v3 =	vmul.f32 v1, v27  }
0x202: {  	[tilespmem:s13+$0xFFFFFFF0] =	vst v2;
	v2 =	vmul.f32 v1, v30  }
0x203: {  	v1 =	vmul.f32 v1, v31;
	[tilespmem:s13+$0x50] =	vst v3  }
0x204: {  	[tilespmem:s13+$0x60] =	vst v2  }
0x205: {  	[tilespmem:s13+$0x70] =	vst v1  }
0x206: {  	_ =	swait.ge [sflag:s1], $0x50  }
0x207: {  	[sflag:s1] =	ssyncset.done $0x0  }
0x208: {  	[sflag:s1] =	ssyncadd.s32 $0xFFFFFFB0  }
0x209: {  	[spmem:s3] =	stream.indirect.scatter.add.f32 [tilespmem:s26], [sflag:$0x7], $0x90, s30, s25, $0xb8;
	[tilespmem:$0x1E370] =	vst v63  }
.Ltmp9:
0x20a: {  	s10 =	sadd.s32 @!p0 s10, s14;
	(pc) =	sbr.rel .LBB2_11-.Ltmp9, $4  }
0x20b: {  	s10 =	sshrl.u32 @!p0 s10, $0x3;
	_ =	swait.ge [sflag:s24], $0x2D00  }
0x20c: {  	s10 =	sadd.s32 @!p0 s6, s10;
	[sflag:s24] =	ssyncset.done $0x0  }
0x20d: {  	s11 =	simm.s32 @!p0 $0x0;
	s12 =	simm.s32 @!p0 $0x190;
	[sflag:s24] =	ssyncadd.s32 $0xFFFFD300  }
0x20e: {  	[tilespmem:s12], [sflag:$0x6] =	stream.linear.gather @!p0 [hbm4b:s10+s11], $0x50, $0x38;
	[tilespmem:$0x1E370] =	vst v63  }
.LBB2_13:
0x20f: {  	_ =	sfence.sel $0x180000  }
0x210: {  	[bflag:$0x0] =	sbarrier.arrive $0xFFFF  }
0x211: {  	_ =	strace $0x90000047  }
0x212: {  	s0 =	stileid.u32;
	[bflag:$0x2] =	sbarrier.arrive $0xFFFF  }
0x213: {  	p0 =	sne.s32 s0, $0x0;
	s0 =	rddreg [dreg:$0x3]  }
0x214: {  	s0 =	sadd.s32 @!p0 $0x100000, s0  }
0x215: {  	[sflag:s0] =	ssyncadd.tile.s32 @!p0 $0x1;
	_ =	shalt  }
.Lfunc_end2:
_tile_overlayer_lowered:
.L_overlay_start_2:
0x216: {  	(tag) =	ssettag $0x2  }
0x217: {  	s0 =	rddreg [dreg:$0x0];
	s2 =	stileid.u32  }
0x218: {  	s1 =	rddreg [dreg:$0x1];
	p0 =	sne.s32 s2, $0x0  }
0x219: {  	s3 =	rddreg [dreg:$0x2];
	[bflag:$0x3] =	sbarrier.arrive $0xFFFF;
	s2 =	simm.s32 @!p0 $0x1C07  }
0x21a: {  	[timem:s3], [sflag:s2] =	dma.local @!p0 [hbm:s0], s1  }
0x21b: {  	s0 =	simm.s32 @!p0 $0x7  }
0x21c: {  	_ =	swait.ge @!p0 [sflag:s0], s1  }
0x21d: {  	s1 =	ssub.s32 @!p0 $0x0, s1;
	[sflag:s0] =	ssyncset.done @!p0 $0x0  }
0x21e: {  	[sflag:s0] =	ssyncadd.s32 @!p0 s1  }
0x21f: {  	[bflag:$0x3] =	sbarrier.arrive $0xFFFF  }
0x220: {  	_ =	shalt  }

</sc_bundles>
